<compile_context>
chip_gen: v7x
topology: tpu7x:2x2x1
jax: 0.10.2.dev20260603
libtpu: 0.0.44.dev20260713+nightly
codegen_flags: <defaults>
</compile_context>

<pallas_src>
import jax
import jax.numpy as jnp
from jax.experimental import pallas as pl
from jax.experimental.pallas import tpu as pltpu

F32 = jnp.float32
_B = 128
_NLIG, _NA = 4000, 4096
_NRES, _NR = 6000, 6144
_NT = _NA + _NR
_NBLK = _NT // _B
_NA_BLK = _NA // _B
_NSEG = 200
_H = 64
_NORM = 100.0
_BIG = 1 << 20


def _dot(x, w):
    return jax.lax.dot_general(x, w, (((1,), (1,)), ((), ())),
                               preferred_element_type=F32)


def _silu(x):
    return x * (0.5 + 0.5 * jnp.tanh(0.5 * x))



def _pre_kernel(xa_ref, xr_ref, hat_ref, t_ref, aw0, ab0, aw1, ab1,
                rw0, rb0, rw1, rb1, wex, weh, wet, be, out_ref):
    tv = t_ref[0, 0]
    ha = _silu(_dot(xa_ref[:, 3:19], aw0[...]) + ab0[...])
    ha = _dot(ha, aw1[...]) + ab1[...]
    hr = _silu(_dot(hat_ref[...], rw0[...]) + rb0[...])
    hr = _dot(hr, rw1[...]) + rb1[...]
    base = tv * wet[...] + be[...]
    out_ref[...] = jnp.zeros((_NT, _H), F32)
    out_ref[0:_NLIG, :] = _dot(xa_ref[:, 0:3], wex[...]) + _dot(ha, weh[...]) + base
    out_ref[_NA:_NA + _NRES, :] = (_dot(xr_ref[:, 0:3], wex[...])
                                   + _dot(hr, weh[...]) + base)



_C = 64


def _gcl_kernel(ranges_ref, mask_ref, hid_ref, w1a_ref, w1b_ref, b1_ref,
                w2d_ref, b2_ref, wn1_ref, bn1_ref, wn2_ref, bn2_ref,
                out_ref, a_ref, b_ref):
    r = pl.program_id(0)

    @pl.when(r == 0)
    def _():
        h = hid_ref[...]
        a_ref[...] = _dot(h, w1a_ref[...]) + b1_ref[...]
        b_ref[...] = _dot(h, w1b_ref[...])

    a_pack = jnp.concatenate(
        [a_ref[pl.ds(r * _B, _C), :], a_ref[pl.ds(r * _B + _C, _C), :]],
        axis=1)
    mrow_e = jnp.concatenate(
        [jnp.broadcast_to(mask_ref[pl.ds(r * _B, _C), :], (_C, _H)),
         jnp.broadcast_to(mask_ref[pl.ds(r * _B + _C, _C), :], (_C, _H))],
        axis=1)
    w2d = w2d_ref[...]
    b2 = b2_ref[...]

    a_bf = a_pack.astype(jnp.bfloat16)
    w2d_bf = w2d.astype(jnp.bfloat16)
    b2_bf = b2.astype(jnp.bfloat16)

    def tile(c):
        b_col = b_ref[pl.ds(c * _C, _C), :]
        b_pack = jnp.concatenate([b_col, b_col], axis=1).astype(jnp.bfloat16)
        m = a_bf[:, None, :] + b_pack[None, :, :]
        m = _silu(m)
        p = (jax.lax.dot_general(m.reshape(_C * _C, 2 * _H), w2d_bf,
                                 (((1,), (1,)), ((), ())),
                                 preferred_element_type=F32)
             .astype(jnp.bfloat16)) + b2_bf
        p = _silu(p).reshape(_C, _C, 2 * _H)
        mc = jnp.broadcast_to(mask_ref[pl.ds(c * _C, _C), :], (_C, _H))
        mcol_e = jnp.concatenate([mc, mc], axis=1)
        adj = mrow_e[:, None, :] == mcol_e[None, :, :]
        p = jnp.where(adj, p, jnp.bfloat16(0.0))
        return jnp.sum(p, axis=1, dtype=F32)

    c0 = ranges_ref[r, 0]
    c1 = ranges_ref[r, 1]

    def pair_body(k, acc):
        c = c0 + 2 * k
        return acc + tile(c) + tile(c + 1)

    acc = jnp.zeros((_C, 2 * _H), F32)
    acc = jax.lax.fori_loop(0, (c1 - c0) // 2, pair_body, acc)
    acc = jax.lax.cond((c1 - c0) % 2 == 1,
                       lambda a: a + tile(c1 - 1), lambda a: a, acc)
    acc = acc * (1.0 / _NORM)
    agg = jnp.concatenate([acc[:, :_H], acc[:, _H:]], axis=0)
    h_row = hid_ref[pl.ds(r * _B, _B), :]
    upd = jnp.concatenate([h_row, agg], axis=1)
    z = _silu(_dot(upd, wn1_ref[...]) + bn1_ref[...])
    out_ref[...] = h_row + _dot(z, wn2_ref[...]) + bn2_ref[...]



def _post_kernel(hid_ref, mrow_ref, mcol_ref, wo, bo, aw0, ab0, aw1, ab1,
                 rw0, rb0, rw1, rb1, outa_ref, outr_ref):
    out20 = _dot(hid_ref[...], wo[...]) + bo[...]
    vel = out20[:, 0:3]
    ids_r = jax.lax.broadcasted_iota(jnp.int32, (_NSEG, _NT), 0)
    s = (ids_r == mrow_ref[...]).astype(F32)
    ids_c = jax.lax.broadcasted_iota(jnp.int32, (_NT, _NSEG), 1)
    st = (ids_c == mcol_ref[...]).astype(F32)
    segsum = jax.lax.dot_general(s, vel, (((1,), (0,)), ((), ())),
                                 preferred_element_type=F32)
    cnt = jnp.sum(s, axis=1, keepdims=True)
    mean = segsum / jnp.maximum(cnt, 1.0)
    meang = jax.lax.dot_general(st, mean, (((1,), (0,)), ((), ())),
                                preferred_element_type=F32)
    velc = vel - meang
    hf = out20[:, 3:19]
    ha = _silu(_dot(hf[0:_NLIG], aw0[...]) + ab0[...])
    ha = _dot(ha, aw1[...]) + ab1[...]
    hr = _silu(_dot(hf[_NA:_NA + _NRES], rw0[...]) + rb0[...])
    hr = _dot(hr, rw1[...]) + rb1[...]
    outa_ref[...] = jnp.concatenate([velc[0:_NLIG], ha], axis=1)
    outr_ref[...] = jnp.concatenate([velc[_NA:_NA + _NRES], hr], axis=1)



def _row(v):
    return v.reshape(1, -1)


def kernel(xh_atoms, xh_residues, t, mask_atoms, mask_residues, h_atomica, params):
    ma = mask_atoms.astype(jnp.int32)
    mr = mask_residues.astype(jnp.int32)
    mask_full = jnp.concatenate([
        ma, jnp.full((_NA - _NLIG,), -1, jnp.int32),
        mr, jnp.full((_NR - _NRES,), -1, jnp.int32)])
    perm = jnp.argsort(jnp.where(mask_full < 0, _BIG, mask_full))
    inv_perm = jnp.argsort(perm)
    mask_s = jnp.take(mask_full, perm)
    mcol2d = mask_s.reshape(_NT // _C, _C)
    co_lo = jnp.where(mcol2d < 0, _BIG, mcol2d).min(axis=1)
    co_hi = jnp.where(mcol2d < 0, -_BIG, mcol2d).max(axis=1)
    co_hi = jnp.where(co_lo == _BIG, _BIG, co_hi)
    mrow2d = mask_s.reshape(_NBLK, _B)
    rmin = jnp.where(mrow2d < 0, _BIG, mrow2d).min(axis=1)
    rmax = jnp.where(mrow2d < 0, -_BIG, mrow2d).max(axis=1)
    c0 = jnp.sum(co_hi[None, :] < rmin[:, None], axis=1)
    c1 = jnp.sum(co_lo[None, :] <= rmax[:, None], axis=1)
    ranges = jnp.stack([c0, c1], axis=1).astype(jnp.int32)

    p = params
    ae0, ae1 = p["atom_enc"]
    re0, re1 = p["res_enc"]
    we = p["gnn_emb"]
    t2d = t.reshape(1, 1).astype(F32)

    hid = pl.pallas_call(
        _pre_kernel,
        out_shape=jax.ShapeDtypeStruct((_NT, _H), F32),
    )(xh_atoms, xh_residues, h_atomica, t2d,
      ae0["W"], _row(ae0["b"]), ae1["W"], _row(ae1["b"]),
      re0["W"], _row(re0["b"]), re1["W"], _row(re1["b"]),
      we["W"][:, 0:3], we["W"][:, 3:19], _row(we["W"][:, 19]), _row(we["b"]))

    zpad = jnp.zeros((_H, _H), F32)
    hid = jnp.take(hid, perm, axis=0)
    for layer in p["gcl"]:
        w1 = layer["edge_mlp"][0]["W"]
        w2 = layer["edge_mlp"][1]["W"]
        w2d = jnp.concatenate(
            [jnp.concatenate([w2, zpad], axis=1),
             jnp.concatenate([zpad, w2], axis=1)], axis=0)
        b2 = _row(layer["edge_mlp"][1]["b"])
        hid = pl.pallas_call(
            _gcl_kernel,
            grid=(_NBLK,),
            in_specs=[pl.BlockSpec(memory_space=pltpu.SMEM)]
                     + [pl.BlockSpec(memory_space=pltpu.VMEM)] * 11,
            out_specs=pl.BlockSpec((_B, _H), lambda r: (r, 0)),
            out_shape=jax.ShapeDtypeStruct((_NT, _H), F32),
            scratch_shapes=[pltpu.VMEM((_NT, _H), F32),
                            pltpu.VMEM((_NT, _H), F32)],
            compiler_params=pltpu.CompilerParams(
                dimension_semantics=("arbitrary",)),
        )(ranges, mask_s.reshape(-1, 1), hid,
          w1[:, :_H], w1[:, _H:], _row(layer["edge_mlp"][0]["b"]),
          w2d, jnp.concatenate([b2, b2], axis=1),
          layer["node_mlp"][0]["W"], _row(layer["node_mlp"][0]["b"]),
          layer["node_mlp"][1]["W"], _row(layer["node_mlp"][1]["b"]))

    hid = jnp.take(hid, inv_perm, axis=0)
    ad0, ad1 = p["atom_dec"]
    rd0, rd1 = p["res_dec"]
    outa, outr = pl.pallas_call(
        _post_kernel,
        out_shape=[jax.ShapeDtypeStruct((_NLIG, 19), F32),
                   jax.ShapeDtypeStruct((_NRES, 19), F32)],
    )(hid, _row(mask_full), mask_full.reshape(-1, 1),
      p["gnn_out"]["W"], _row(p["gnn_out"]["b"]),
      ad0["W"], _row(ad0["b"]), ad1["W"], _row(ad1["b"]),
      rd0["W"], _row(rd0["b"]), rd1["W"], _row(rd1["b"]))
    return (outa, outr)

# --- scband reference (transcript-rebuilt; emitter-appended) ---
"""Pipeline reference for scband-egnndynamics-26783416058130 (READ-ONLY COPY).

The authoritative reference and input builder live on the scoring server;
editing this copy changes nothing except your own understanding.
"""

import jax, jax.numpy as jnp
import numpy as np

N_LIG = 4000
N_RES = 6000
N_BATCH = 200
ATOM_NF = 16
RESIDUE_NF = 16
N_DIMS = 3
JOINT_NF = 16
HIDDEN_NF = 64
ATOMICA_DIM = 128
N_LAYERS = 2
NORM_FACTOR = 100.0


def _linear(key, din, dout):
    k1, k2 = jax.random.split(key)
    lim = 1.0 / np.sqrt(din)
    return {"W": jax.random.uniform(k1, (dout, din), minval=-lim, maxval=lim, dtype=jnp.float32),
            "b": jax.random.uniform(k2, (dout,), minval=-lim, maxval=lim, dtype=jnp.float32)}


def _lin(p, x):
    return x @ p["W"].T + p["b"]


def _mlp2(ps, x):
    return _lin(ps[1], jax.nn.silu(_lin(ps[0], x)))


def init_params(key):
    ks = jax.random.split(key, 40)
    it = iter(ks)
    p = {}
    p["atom_enc"] = [_linear(next(it), ATOM_NF, 2 * ATOM_NF), _linear(next(it), 2 * ATOM_NF, JOINT_NF)]
    p["res_enc"] = [_linear(next(it), ATOMICA_DIM, 2 * ATOMICA_DIM), _linear(next(it), 2 * ATOMICA_DIM, JOINT_NF)]
    p["atom_dec"] = [_linear(next(it), JOINT_NF, 2 * ATOM_NF), _linear(next(it), 2 * ATOM_NF, ATOM_NF)]
    p["res_dec"] = [_linear(next(it), JOINT_NF, 2 * RESIDUE_NF), _linear(next(it), 2 * RESIDUE_NF, RESIDUE_NF)]
    dyn_nf = JOINT_NF + 1
    p["gnn_emb"] = _linear(next(it), dyn_nf + N_DIMS, HIDDEN_NF)
    p["gnn_out"] = _linear(next(it), HIDDEN_NF, N_DIMS + dyn_nf)
    layers = []
    for _ in range(N_LAYERS):
        layers.append({
            "edge_mlp": [_linear(next(it), 2 * HIDDEN_NF, HIDDEN_NF), _linear(next(it), HIDDEN_NF, HIDDEN_NF)],
            "node_mlp": [_linear(next(it), 2 * HIDDEN_NF, HIDDEN_NF), _linear(next(it), HIDDEN_NF, HIDDEN_NF)],
        })
    p["gcl"] = layers
    return p


def get_edges(mask_atoms, mask_residues):
    adj_l = mask_atoms[:, None] == mask_atoms[None, :]
    adj_p = mask_residues[:, None] == mask_residues[None, :]
    adj_c = mask_atoms[:, None] == mask_residues[None, :]
    adj = jnp.concatenate([jnp.concatenate([adj_l, adj_c], axis=1),
                           jnp.concatenate([adj_c.T, adj_p], axis=1)], axis=0)
    rows, cols = jnp.where(adj)
    return rows, cols


def remove_mean_batch(x, idx, num_segments):
    s = jax.ops.segment_sum(x, idx, num_segments=num_segments)
    cnt = jax.ops.segment_sum(jnp.ones((x.shape[0], 1), x.dtype), idx, num_segments=num_segments)
    mean = s / jnp.maximum(cnt, 1.0)
    return x - mean[idx]


def _gcl(layer, h, node_mask, n_nodes):
    n = h.shape[0]
    chunk = 50 if n % 50 == 0 else 1
    hs = h.reshape(n // chunk, chunk, h.shape[1])
    ms = node_mask.reshape(n // chunk, chunk)

    def body(args):
        hc, mc = args
        pair = jnp.concatenate([jnp.broadcast_to(hc[:, None, :], (chunk, n, h.shape[1])),
                                jnp.broadcast_to(h[None, :, :], (chunk, n, h.shape[1]))], axis=-1)
        m = jax.nn.silu(_lin(layer["edge_mlp"][0], pair))
        m = jax.nn.silu(_lin(layer["edge_mlp"][1], m))
        adj = mc[:, None] == node_mask[None, :]
        return jnp.sum(jnp.where(adj[:, :, None], m, jnp.zeros_like(m)), axis=1)

    agg = jax.lax.map(body, (hs, ms)).reshape(n, -1) / NORM_FACTOR
    upd = jnp.concatenate([h, agg], axis=1)
    upd = _lin(layer["node_mlp"][1], jax.nn.silu(_lin(layer["node_mlp"][0], upd)))
    return h + upd


def _forward(xh_atoms, xh_residues, t, h_atomica, params, mask_atoms, mask_residues):
    x_atoms = xh_atoms[:, :N_DIMS]
    h_atoms = xh_atoms[:, N_DIMS:]
    x_res = xh_residues[:, :N_DIMS]
    h_atoms_enc = _mlp2(params["atom_enc"], h_atoms)
    h_res_enc = _mlp2(params["res_enc"], h_atomica)
    x = jnp.concatenate([x_atoms, x_res], axis=0)
    h = jnp.concatenate([h_atoms_enc, h_res_enc], axis=0)
    mask = jnp.concatenate([mask_atoms, mask_residues])
    n = x.shape[0]
    h_time = jnp.full((n, 1), jax.lax.stop_gradient(t).reshape(()), dtype=h.dtype)
    h = jnp.concatenate([h, h_time], axis=1)
    xh = jnp.concatenate([x, h], axis=1)
    hid = _lin(params["gnn_emb"], xh)
    for layer in params["gcl"]:
        hid = _gcl(layer, hid, mask, n)
    output = _lin(params["gnn_out"], hid)
    vel = output[:, :N_DIMS]
    h_final = output[:, N_DIMS:][:, :-1]
    n_lig = mask_atoms.shape[0]
    h_final_atoms = _mlp2(params["atom_dec"], h_final[:n_lig])
    h_final_res = _mlp2(params["res_dec"], h_final[n_lig:])
    vel = remove_mean_batch(vel, mask, N_BATCH)
    return (jnp.concatenate([vel[:n_lig], h_final_atoms], axis=-1),
            jnp.concatenate([vel[n_lig:], h_final_res], axis=-1))


def setup_inputs(seed: int = 0):
    key = jax.random.key(seed)
    k = jax.random.split(key, 8)
    xh_atoms = jax.random.normal(k[0], (N_LIG, N_DIMS + ATOM_NF), dtype=jnp.float32)
    xh_residues = jax.random.normal(k[1], (N_RES, N_DIMS + RESIDUE_NF), dtype=jnp.float32)
    t = jax.random.uniform(k[2], (1,), dtype=jnp.float32)
    mask_atoms = jnp.sort(jax.random.randint(k[3], (N_LIG,), 0, N_BATCH))
    mask_residues = jnp.sort(jax.random.randint(k[4], (N_RES,), 0, N_BATCH))
    h_atomica = jax.random.normal(k[5], (N_RES, ATOMICA_DIM), dtype=jnp.float32)
    params = init_params(k[6])
    return {"xh_atoms": xh_atoms, "xh_residues": xh_residues, "t": t,
            "mask_atoms": mask_atoms, "mask_residues": mask_residues,
            "h_atomica": h_atomica, "params": params}


def reference(xh_atoms, xh_residues, t, mask_atoms, mask_residues, h_atomica, params):
    return _forward(xh_atoms, xh_residues, t, h_atomica, params, mask_atoms, mask_residues)

if __name__ == "__main__":
    import jax
    _d = setup_inputs()
    print(jax.jit(kernel)(*tuple(_d.values())))

</pallas_src>

<mosaic_0001>
module attributes {stable_mosaic.version = 14 : i64} {
  func.func @_pre_kernel(%arg0: memref<4000x19xf32, #tpu.memory_space<vmem>>, %arg1: memref<6000x19xf32, #tpu.memory_space<vmem>>, %arg2: memref<6000x128xf32, #tpu.memory_space<vmem>>, %arg3: memref<1x1xf32, #tpu.memory_space<vmem>>, %arg4: memref<32x16xf32, #tpu.memory_space<vmem>>, %arg5: memref<1x32xf32, #tpu.memory_space<vmem>>, %arg6: memref<16x32xf32, #tpu.memory_space<vmem>>, %arg7: memref<1x16xf32, #tpu.memory_space<vmem>>, %arg8: memref<256x128xf32, #tpu.memory_space<vmem>>, %arg9: memref<1x256xf32, #tpu.memory_space<vmem>>, %arg10: memref<16x256xf32, #tpu.memory_space<vmem>>, %arg11: memref<1x16xf32, #tpu.memory_space<vmem>>, %arg12: memref<64x3xf32, #tpu.memory_space<vmem>>, %arg13: memref<64x16xf32, #tpu.memory_space<vmem>>, %arg14: memref<1x64xf32, #tpu.memory_space<vmem>>, %arg15: memref<1x64xf32, #tpu.memory_space<vmem>>, %arg16: memref<10240x64xf32, #tpu.memory_space<vmem>>) attributes {dimension_semantics = [], scalar_prefetch = 0 : i64, scratch_operands = 0 : i64, tpu.core_type = #tpu.core_type<tc>} {
    %get3A = arith.constant 0 : index
    %get3A_0 = arith.constant 0 : index
    %get3A_1 = vector.load %arg3[%get3A, %get3A_0] : memref<1x1xf32, #tpu.memory_space<vmem>>, vector<1x1xf32>
    %get3A_2 = vector.extract %get3A_1[0, 0] : f32 from vector<1x1xf32>
    %get3A_3 = arith.constant 0 : index
    %get3A_4 = arith.constant 3 : index
    %get3A_5 = vector.load %arg0[%get3A_3, %get3A_4] : memref<4000x19xf32, #tpu.memory_space<vmem>>, vector<4000x16xf32>
    %get3A_6 = arith.constant 0 : index
    %get3A_7 = arith.constant 0 : index
    %get3A_8 = vector.load %arg4[%get3A_6, %get3A_7] : memref<32x16xf32, #tpu.memory_space<vmem>>, vector<32x16xf32>
    %dot_general3A = arith.constant dense<0.000000e+00> : vector<4000x32xf32>
    %dot_general3A_9 = tpu.matmul %get3A_5, %get3A_8, %dot_general3A {dimension_numbers = #tpu.dot_dimension_numbers<[1], [1], [0], [0], [0, 0, 1, 0], [], []>, transpose_lhs_hint = false} : vector<4000x16xf32>, vector<32x16xf32>, vector<4000x32xf32> -> vector<4000x32xf32>
    %get3A_10 = arith.constant 0 : index
    %get3A_11 = arith.constant 0 : index
    %get3A_12 = vector.load %arg5[%get3A_10, %get3A_11] : memref<1x32xf32, #tpu.memory_space<vmem>>, vector<1x32xf32>
    %add3A = vector.broadcast %get3A_12 : vector<1x32xf32> to vector<4000x32xf32>
    %add3A_13 = arith.addf %dot_general3A_9, %add3A : vector<4000x32xf32>
    %mul3A = arith.constant 5.000000e-01 : f32
    %mul3A_14 = vector.broadcast %mul3A : f32 to vector<4000x32xf32>
    %mul3A_15 = arith.mulf %mul3A_14, %add3A_13 : vector<4000x32xf32>
    %tanh3A = math.tanh %mul3A_15 : vector<4000x32xf32>
    %mul3A_16 = arith.constant 5.000000e-01 : f32
    %mul3A_17 = vector.broadcast %mul3A_16 : f32 to vector<4000x32xf32>
    %mul3A_18 = arith.mulf %mul3A_17, %tanh3A : vector<4000x32xf32>
    %add3A_19 = arith.constant 5.000000e-01 : f32
    %add3A_20 = vector.broadcast %add3A_19 : f32 to vector<4000x32xf32>
    %add3A_21 = arith.addf %add3A_20, %mul3A_18 : vector<4000x32xf32>
    %mul3A_22 = arith.mulf %add3A_13, %add3A_21 : vector<4000x32xf32>
    %get3A_23 = arith.constant 0 : index
    %get3A_24 = arith.constant 0 : index
    %get3A_25 = vector.load %arg6[%get3A_23, %get3A_24] : memref<16x32xf32, #tpu.memory_space<vmem>>, vector<16x32xf32>
    %dot_general3A_26 = arith.constant dense<0.000000e+00> : vector<4000x16xf32>
    %dot_general3A_27 = tpu.matmul %mul3A_22, %get3A_25, %dot_general3A_26 {dimension_numbers = #tpu.dot_dimension_numbers<[1], [1], [0], [0], [0, 0, 1, 0], [], []>, transpose_lhs_hint = false} : vector<4000x32xf32>, vector<16x32xf32>, vector<4000x16xf32> -> vector<4000x16xf32>
    %get3A_28 = arith.constant 0 : index
    %get3A_29 = arith.constant 0 : index
    %get3A_30 = vector.load %arg7[%get3A_28, %get3A_29] : memref<1x16xf32, #tpu.memory_space<vmem>>, vector<1x16xf32>
    %add3A_31 = vector.broadcast %get3A_30 : vector<1x16xf32> to vector<4000x16xf32>
    %add3A_32 = arith.addf %dot_general3A_27, %add3A_31 : vector<4000x16xf32>
    %get3A_33 = arith.constant 0 : index
    %get3A_34 = arith.constant 0 : index
    %get3A_35 = vector.load %arg2[%get3A_33, %get3A_34] : memref<6000x128xf32, #tpu.memory_space<vmem>>, vector<6000x128xf32>
    %get3A_36 = arith.constant 0 : index
    %get3A_37 = arith.constant 0 : index
    %get3A_38 = vector.load %arg8[%get3A_36, %get3A_37] : memref<256x128xf32, #tpu.memory_space<vmem>>, vector<256x128xf32>
    %dot_general3A_39 = arith.constant dense<0.000000e+00> : vector<6000x256xf32>
    %dot_general3A_40 = tpu.matmul %get3A_35, %get3A_38, %dot_general3A_39 {dimension_numbers = #tpu.dot_dimension_numbers<[1], [1], [0], [0], [0, 0, 1, 0], [], []>, transpose_lhs_hint = false} : vector<6000x128xf32>, vector<256x128xf32>, vector<6000x256xf32> -> vector<6000x256xf32>
    %get3A_41 = arith.constant 0 : index
    %get3A_42 = arith.constant 0 : index
    %get3A_43 = vector.load %arg9[%get3A_41, %get3A_42] : memref<1x256xf32, #tpu.memory_space<vmem>>, vector<1x256xf32>
    %add3A_44 = vector.broadcast %get3A_43 : vector<1x256xf32> to vector<6000x256xf32>
    %add3A_45 = arith.addf %dot_general3A_40, %add3A_44 : vector<6000x256xf32>
    %mul3A_46 = arith.constant 5.000000e-01 : f32
    %mul3A_47 = vector.broadcast %mul3A_46 : f32 to vector<6000x256xf32>
    %mul3A_48 = arith.mulf %mul3A_47, %add3A_45 : vector<6000x256xf32>
    %tanh3A_49 = math.tanh %mul3A_48 : vector<6000x256xf32>
    %mul3A_50 = arith.constant 5.000000e-01 : f32
    %mul3A_51 = vector.broadcast %mul3A_50 : f32 to vector<6000x256xf32>
    %mul3A_52 = arith.mulf %mul3A_51, %tanh3A_49 : vector<6000x256xf32>
    %add3A_53 = arith.constant 5.000000e-01 : f32
    %add3A_54 = vector.broadcast %add3A_53 : f32 to vector<6000x256xf32>
    %add3A_55 = arith.addf %add3A_54, %mul3A_52 : vector<6000x256xf32>
    %mul3A_56 = arith.mulf %add3A_45, %add3A_55 : vector<6000x256xf32>
    %get3A_57 = arith.constant 0 : index
    %get3A_58 = arith.constant 0 : index
    %get3A_59 = vector.load %arg10[%get3A_57, %get3A_58] : memref<16x256xf32, #tpu.memory_space<vmem>>, vector<16x256xf32>
    %dot_general3A_60 = arith.constant dense<0.000000e+00> : vector<6000x16xf32>
    %dot_general3A_61 = tpu.matmul %mul3A_56, %get3A_59, %dot_general3A_60 {dimension_numbers = #tpu.dot_dimension_numbers<[1], [1], [0], [0], [0, 0, 1, 0], [], []>, transpose_lhs_hint = false} : vector<6000x256xf32>, vector<16x256xf32>, vector<6000x16xf32> -> vector<6000x16xf32>
    %get3A_62 = arith.constant 0 : index
    %get3A_63 = arith.constant 0 : index
    %get3A_64 = vector.load %arg11[%get3A_62, %get3A_63] : memref<1x16xf32, #tpu.memory_space<vmem>>, vector<1x16xf32>
    %add3A_65 = vector.broadcast %get3A_64 : vector<1x16xf32> to vector<6000x16xf32>
    %add3A_66 = arith.addf %dot_general3A_61, %add3A_65 : vector<6000x16xf32>
    %get3A_67 = arith.constant 0 : index
    %get3A_68 = arith.constant 0 : index
    %get3A_69 = vector.load %arg14[%get3A_67, %get3A_68] : memref<1x64xf32, #tpu.memory_space<vmem>>, vector<1x64xf32>
    %mul3A_70 = vector.broadcast %get3A_2 : f32 to vector<1x64xf32>
    %mul3A_71 = arith.mulf %mul3A_70, %get3A_69 : vector<1x64xf32>
    %get3A_72 = arith.constant 0 : index
    %get3A_73 = arith.constant 0 : index
    %get3A_74 = vector.load %arg15[%get3A_72, %get3A_73] : memref<1x64xf32, #tpu.memory_space<vmem>>, vector<1x64xf32>
    %add3A_75 = arith.addf %mul3A_71, %get3A_74 : vector<1x64xf32>
    %broadcast_in_dim3A = arith.constant 0.000000e+00 : f32
    %broadcast_in_dim3A_76 = vector.broadcast %broadcast_in_dim3A : f32 to vector<10240x64xf32>
    %swap3A = arith.constant 0 : index
    %swap3A_77 = arith.constant 0 : index
    %swap3A_78 = vector.load %arg16[%swap3A, %swap3A_77] : memref<10240x64xf32, #tpu.memory_space<vmem>>, vector<10240x64xf32>
    tpu.vector_store %arg16[%swap3A, %swap3A_77], %broadcast_in_dim3A_76 {strides = array<i32>} : memref<10240x64xf32, #tpu.memory_space<vmem>>, vector<10240x64xf32>,
    %get3A_79 = arith.constant 0 : index
    %get3A_80 = arith.constant 0 : index
    %get3A_81 = vector.load %arg0[%get3A_79, %get3A_80] : memref<4000x19xf32, #tpu.memory_space<vmem>>, vector<4000x3xf32>
    %get3A_82 = arith.constant 0 : index
    %get3A_83 = arith.constant 0 : index
    %get3A_84 = vector.load %arg12[%get3A_82, %get3A_83] : memref<64x3xf32, #tpu.memory_space<vmem>>, vector<64x3xf32>
    %dot_general3A_85 = arith.constant dense<0.000000e+00> : vector<4000x64xf32>
    %dot_general3A_86 = tpu.matmul %get3A_81, %get3A_84, %dot_general3A_85 {dimension_numbers = #tpu.dot_dimension_numbers<[1], [1], [0], [0], [0, 0, 1, 0], [], []>, transpose_lhs_hint = false} : vector<4000x3xf32>, vector<64x3xf32>, vector<4000x64xf32> -> vector<4000x64xf32>
    %get3A_87 = arith.constant 0 : index
    %get3A_88 = arith.constant 0 : index
    %get3A_89 = vector.load %arg13[%get3A_87, %get3A_88] : memref<64x16xf32, #tpu.memory_space<vmem>>, vector<64x16xf32>
    %dot_general3A_90 = arith.constant dense<0.000000e+00> : vector<4000x64xf32>
    %dot_general3A_91 = tpu.matmul %add3A_32, %get3A_89, %dot_general3A_90 {dimension_numbers = #tpu.dot_dimension_numbers<[1], [1], [0], [0], [0, 0, 1, 0], [], []>, transpose_lhs_hint = false} : vector<4000x16xf32>, vector<64x16xf32>, vector<4000x64xf32> -> vector<4000x64xf32>
    %add3A_92 = arith.addf %dot_general3A_86, %dot_general3A_91 : vector<4000x64xf32>
    %add3A_93 = vector.broadcast %add3A_75 : vector<1x64xf32> to vector<4000x64xf32>
    %add3A_94 = arith.addf %add3A_92, %add3A_93 : vector<4000x64xf32>
    %swap3A_95 = arith.constant 0 : index
    %swap3A_96 = arith.constant 0 : index
    %swap3A_97 = vector.load %arg16[%swap3A_95, %swap3A_96] : memref<10240x64xf32, #tpu.memory_space<vmem>>, vector<4000x64xf32>
    tpu.vector_store %arg16[%swap3A_95, %swap3A_96], %add3A_94 {strides = array<i32>} : memref<10240x64xf32, #tpu.memory_space<vmem>>, vector<4000x64xf32>,
    %get3A_98 = arith.constant 0 : index
    %get3A_99 = arith.constant 0 : index
    %get3A_100 = vector.load %arg1[%get3A_98, %get3A_99] : memref<6000x19xf32, #tpu.memory_space<vmem>>, vector<6000x3xf32>
    %get3A_101 = arith.constant 0 : index
    %get3A_102 = arith.constant 0 : index
    %get3A_103 = vector.load %arg12[%get3A_101, %get3A_102] : memref<64x3xf32, #tpu.memory_space<vmem>>, vector<64x3xf32>
    %dot_general3A_104 = arith.constant dense<0.000000e+00> : vector<6000x64xf32>
    %dot_general3A_105 = tpu.matmul %get3A_100, %get3A_103, %dot_general3A_104 {dimension_numbers = #tpu.dot_dimension_numbers<[1], [1], [0], [0], [0, 0, 1, 0], [], []>, transpose_lhs_hint = false} : vector<6000x3xf32>, vector<64x3xf32>, vector<6000x64xf32> -> vector<6000x64xf32>
    %get3A_106 = arith.constant 0 : index
    %get3A_107 = arith.constant 0 : index
    %get3A_108 = vector.load %arg13[%get3A_106, %get3A_107] : memref<64x16xf32, #tpu.memory_space<vmem>>, vector<64x16xf32>
    %dot_general3A_109 = arith.constant dense<0.000000e+00> : vector<6000x64xf32>
    %dot_general3A_110 = tpu.matmul %add3A_66, %get3A_108, %dot_general3A_109 {dimension_numbers = #tpu.dot_dimension_numbers<[1], [1], [0], [0], [0, 0, 1, 0], [], []>, transpose_lhs_hint = false} : vector<6000x16xf32>, vector<64x16xf32>, vector<6000x64xf32> -> vector<6000x64xf32>
    %add3A_111 = arith.addf %dot_general3A_105, %dot_general3A_110 : vector<6000x64xf32>
    %add3A_112 = vector.broadcast %add3A_75 : vector<1x64xf32> to vector<6000x64xf32>
    %add3A_113 = arith.addf %add3A_111, %add3A_112 : vector<6000x64xf32>
    %swap3A_114 = arith.constant 4096 : index
    %swap3A_115 = arith.constant 0 : index
    %swap3A_116 = vector.load %arg16[%swap3A_114, %swap3A_115] : memref<10240x64xf32, #tpu.memory_space<vmem>>, vector<6000x64xf32>
    tpu.vector_store %arg16[%swap3A_114, %swap3A_115], %add3A_113 {strides = array<i32>} : memref<10240x64xf32, #tpu.memory_space<vmem>>, vector<6000x64xf32>,
    return
  }
}

module attributes {stable_mosaic.version = 14 : i64} {
  func.func @_gcl_kernel(%arg0: i32, %arg1: memref<80x2xi32, #tpu.memory_space<smem>>, %arg2: memref<10240x1xi32, #tpu.memory_space<vmem>>, %arg3: memref<10240x64xf32, #tpu.memory_space<vmem>>, %arg4: memref<64x64xf32, #tpu.memory_space<vmem>>, %arg5: memref<64x64xf32, #tpu.memory_space<vmem>>, %arg6: memref<1x64xf32, #tpu.memory_space<vmem>>, %arg7: memref<128x128xf32, #tpu.memory_space<vmem>>, %arg8: memref<1x128xf32, #tpu.memory_space<vmem>>, %arg9: memref<64x128xf32, #tpu.memory_space<vmem>>, %arg10: memref<1x64xf32, #tpu.memory_space<vmem>>, %arg11: memref<64x64xf32, #tpu.memory_space<vmem>>, %arg12: memref<1x64xf32, #tpu.memory_space<vmem>>, %arg13: memref<128x64xf32, #tpu.memory_space<vmem>>, %arg14: memref<10240x64xf32, #tpu.memory_space<vmem>>, %arg15: memref<10240x64xf32, #tpu.memory_space<vmem>>) attributes {dimension_semantics = [#tpu.dimension_semantics<arbitrary>], iteration_bounds = array<i64: 80>, scalar_prefetch = 0 : i64, scratch_operands = 2 : i64, tpu.core_type = #tpu.core_type<tc>, window_params = [{transform_indices = @transform_0, window_bounds = array<i64: 80, 2>}, {pipeline_mode = #tpu.pipeline_mode<synchronous>, transform_indices = @transform_1, window_bounds = array<i64: 10240, 1>}, {pipeline_mode = #tpu.pipeline_mode<synchronous>, transform_indices = @transform_2, window_bounds = array<i64: 10240, 64>}, {pipeline_mode = #tpu.pipeline_mode<synchronous>, transform_indices = @transform_3, window_bounds = array<i64: 64, 64>}, {pipeline_mode = #tpu.pipeline_mode<synchronous>, transform_indices = @transform_4, window_bounds = array<i64: 64, 64>}, {pipeline_mode = #tpu.pipeline_mode<synchronous>, transform_indices = @transform_5, window_bounds = array<i64: 1, 64>}, {pipeline_mode = #tpu.pipeline_mode<synchronous>, transform_indices = @transform_6, window_bounds = array<i64: 128, 128>}, {pipeline_mode = #tpu.pipeline_mode<synchronous>, transform_indices = @transform_7, window_bounds = array<i64: 1, 128>}, {pipeline_mode = #tpu.pipeline_mode<synchronous>, transform_indices = @transform_8, window_bounds = array<i64: 64, 128>}, {pipeline_mode = #tpu.pipeline_mode<synchronous>, transform_indices = @transform_9, window_bounds = array<i64: 1, 64>}, {pipeline_mode = #tpu.pipeline_mode<synchronous>, transform_indices = @transform_10, window_bounds = array<i64: 64, 64>}, {pipeline_mode = #tpu.pipeline_mode<synchronous>, transform_indices = @transform_11, window_bounds = array<i64: 1, 64>}, {transform_indices = @transform_12, window_bounds = array<i64: 128, 64>}]} {
    %eq3A = arith.constant 0 : i32
    %eq3A_0 = arith.cmpi eq, %arg0, %eq3A : i32
    %convert_element_type3A = arith.extui %eq3A_0 : i1 to i32
    %cond3A = arith.constant 0 : i32
    %cond3A_1 = arith.cmpi ne, %convert_element_type3A, %cond3A : i32
    scf.if %cond3A_1 {
      %get3A_136 = arith.constant 0 : index
      %get3A_137 = arith.constant 0 : index
      %get3A_138 = vector.load %arg3[%get3A_136, %get3A_137] : memref<10240x64xf32, #tpu.memory_space<vmem>>, vector<10240x64xf32>
      %get3A_139 = arith.constant 0 : index
      %get3A_140 = arith.constant 0 : index
      %get3A_141 = vector.load %arg4[%get3A_139, %get3A_140] : memref<64x64xf32, #tpu.memory_space<vmem>>, vector<64x64xf32>
      %dot_general3A_142 = arith.constant dense<0.000000e+00> : vector<10240x64xf32>
      %dot_general3A_143 = tpu.matmul %get3A_138, %get3A_141, %dot_general3A_142 {dimension_numbers = #tpu.dot_dimension_numbers<[1], [1], [0], [0], [0, 0, 1, 0], [], []>, transpose_lhs_hint = false} : vector<10240x64xf32>, vector<64x64xf32>, vector<10240x64xf32> -> vector<10240x64xf32>
      %get3A_144 = arith.constant 0 : index
      %get3A_145 = arith.constant 0 : index
      %get3A_146 = vector.load %arg6[%get3A_144, %get3A_145] : memref<1x64xf32, #tpu.memory_space<vmem>>, vector<1x64xf32>
      %add3A_147 = vector.broadcast %get3A_146 : vector<1x64xf32> to vector<10240x64xf32>
      %add3A_148 = arith.addf %dot_general3A_143, %add3A_147 : vector<10240x64xf32>
      %swap3A_149 = arith.constant 0 : index
      %swap3A_150 = arith.constant 0 : index
      %swap3A_151 = vector.load %arg14[%swap3A_149, %swap3A_150] : memref<10240x64xf32, #tpu.memory_space<vmem>>, vector<10240x64xf32>
      tpu.vector_store %arg14[%swap3A_149, %swap3A_150], %add3A_148 {strides = array<i32>} : memref<10240x64xf32, #tpu.memory_space<vmem>>, vector<10240x64xf32>,
      %get3A_152 = arith.constant 0 : index
      %get3A_153 = arith.constant 0 : index
      %get3A_154 = vector.load %arg5[%get3A_152, %get3A_153] : memref<64x64xf32, #tpu.memory_space<vmem>>, vector<64x64xf32>
      %dot_general3A_155 = arith.constant dense<0.000000e+00> : vector<10240x64xf32>
      %dot_general3A_156 = tpu.matmul %get3A_138, %get3A_154, %dot_general3A_155 {dimension_numbers = #tpu.dot_dimension_numbers<[1], [1], [0], [0], [0, 0, 1, 0], [], []>, transpose_lhs_hint = false} : vector<10240x64xf32>, vector<64x64xf32>, vector<10240x64xf32> -> vector<10240x64xf32>
      %swap3A_157 = arith.constant 0 : index
      %swap3A_158 = arith.constant 0 : index
      %swap3A_159 = vector.load %arg15[%swap3A_157, %swap3A_158] : memref<10240x64xf32, #tpu.memory_space<vmem>>, vector<10240x64xf32>
      tpu.vector_store %arg15[%swap3A_157, %swap3A_158], %dot_general3A_156 {strides = array<i32>} : memref<10240x64xf32, #tpu.memory_space<vmem>>, vector<10240x64xf32>,
    } else {
    }
    %mul3A = arith.constant 128 : i32
    %mul3A_2 = arith.muli %arg0, %mul3A : i32
    %get3A = arith.index_cast %mul3A_2 : i32 to index
    %get3A_3 = arith.constant 0 : index
    %get3A_4 = vector.load %arg14[%get3A, %get3A_3] : memref<10240x64xf32, #tpu.memory_space<vmem>>, vector<64x64xf32>
    %mul3A_5 = arith.constant 128 : i32
    %mul3A_6 = arith.muli %arg0, %mul3A_5 : i32
    %add3A = arith.constant 64 : i32
    %add3A_7 = arith.addi %mul3A_6, %add3A : i32
    %get3A_8 = arith.index_cast %add3A_7 : i32 to index
    %get3A_9 = arith.constant 0 : index
    %get3A_10 = vector.load %arg14[%get3A_8, %get3A_9] : memref<10240x64xf32, #tpu.memory_space<vmem>>, vector<64x64xf32>
    %concatenate3A = tpu.concatenate %get3A_4, %get3A_10 in 1 : vector<64x64xf32>, vector<64x64xf32> -> vector<64x128xf32>
    %mul3A_11 = arith.constant 128 : i32
    %mul3A_12 = arith.muli %arg0, %mul3A_11 : i32
    %get3A_13 = arith.index_cast %mul3A_12 : i32 to index
    %get3A_14 = arith.constant 0 : index
    %get3A_15 = vector.load %arg2[%get3A_13, %get3A_14] : memref<10240x1xi32, #tpu.memory_space<vmem>>, vector<64x1xi32>
    %broadcast_in_dim3A = vector.shape_cast %get3A_15 : vector<64x1xi32> to vector<64x1xi32>
    %broadcast_in_dim3A_16 = vector.broadcast %broadcast_in_dim3A : vector<64x1xi32> to vector<64x64xi32>
    %mul3A_17 = arith.constant 128 : i32
    %mul3A_18 = arith.muli %arg0, %mul3A_17 : i32
    %add3A_19 = arith.constant 64 : i32
    %add3A_20 = arith.addi %mul3A_18, %add3A_19 : i32
    %get3A_21 = arith.index_cast %add3A_20 : i32 to index
    %get3A_22 = arith.constant 0 : index
    %get3A_23 = vector.load %arg2[%get3A_21, %get3A_22] : memref<10240x1xi32, #tpu.memory_space<vmem>>, vector<64x1xi32>
    %broadcast_in_dim3A_24 = vector.shape_cast %get3A_23 : vector<64x1xi32> to vector<64x1xi32>
    %broadcast_in_dim3A_25 = vector.broadcast %broadcast_in_dim3A_24 : vector<64x1xi32> to vector<64x64xi32>
    %concatenate3A_26 = tpu.concatenate %broadcast_in_dim3A_16, %broadcast_in_dim3A_25 in 1 : vector<64x64xi32>, vector<64x64xi32> -> vector<64x128xi32>
    %get3A_27 = arith.constant 0 : index
    %get3A_28 = arith.constant 0 : index
    %get3A_29 = vector.load %arg7[%get3A_27, %get3A_28] : memref<128x128xf32, #tpu.memory_space<vmem>>, vector<128x128xf32>
    %get3A_30 = arith.constant 0 : index
    %get3A_31 = arith.constant 0 : index
    %get3A_32 = vector.load %arg8[%get3A_30, %get3A_31] : memref<1x128xf32, #tpu.memory_space<vmem>>, vector<1x128xf32>
    %convert_element_type3A_33 = arith.truncf %concatenate3A : vector<64x128xf32> to vector<64x128xbf16>
    %convert_element_type3A_34 = arith.truncf %get3A_29 : vector<128x128xf32> to vector<128x128xbf16>
    %convert_element_type3A_35 = arith.truncf %get3A_32 : vector<1x128xf32> to vector<1x128xbf16>
    %get3A_36 = arith.index_cast %arg0 : i32 to index
    %get3A_37 = arith.constant 0 : index
    %get3A_38 = memref.load %arg1[%get3A_36, %get3A_37] : memref<80x2xi32, #tpu.memory_space<smem>>
    %get3A_39 = arith.index_cast %arg0 : i32 to index
    %get3A_40 = arith.constant 1 : index
    %get3A_41 = memref.load %arg1[%get3A_39, %get3A_40] : memref<80x2xi32, #tpu.memory_space<smem>>
    %broadcast_in_dim3A_42 = arith.constant 0.000000e+00 : f32
    %broadcast_in_dim3A_43 = vector.broadcast %broadcast_in_dim3A_42 : f32 to vector<64x128xf32>
    %sub3A = arith.subi %get3A_41, %get3A_38 : i32
    %jit3A = arith.constant 2 : i32
    %div3A = arith.divsi %sub3A, %jit3A : i32
    %sign3A = arith.constant 0 : i32
    %sign3A_44 = arith.cmpi sgt, %sub3A, %sign3A : i32
    %sign3A_45 = arith.extui %sign3A_44 : i1 to i32
    %sign3A_46 = arith.constant 0 : i32
    %sign3A_47 = arith.cmpi slt, %sub3A, %sign3A_46 : i32
    %sign3A_48 = arith.extui %sign3A_47 : i1 to i32
    %sign3A_49 = arith.subi %sign3A_45, %sign3A_48 : i32
    %sign3A_50 = arith.constant 0 : i32
    %sign3A_51 = arith.cmpi sgt, %jit3A, %sign3A_50 : i32
    %sign3A_52 = arith.extui %sign3A_51 : i1 to i32
    %sign3A_53 = arith.constant 0 : i32
    %sign3A_54 = arith.cmpi slt, %jit3A, %sign3A_53 : i32
    %sign3A_55 = arith.extui %sign3A_54 : i1 to i32
    %sign3A_56 = arith.subi %sign3A_52, %sign3A_55 : i32
    %ne3A = arith.cmpi ne, %sign3A_49, %sign3A_56 : i32
    %rem3A = arith.remsi %sub3A, %jit3A : i32
    %ne3A_57 = arith.constant 0 : i32
    %ne3A_58 = arith.cmpi ne, %rem3A, %ne3A_57 : i32
    %and3A = arith.andi %ne3A, %ne3A_58 : i1
    %sub3A_59 = arith.constant 1 : i32
    %sub3A_60 = arith.subi %div3A, %sub3A_59 : i32
    %select_n3A = arith.select %and3A, %sub3A_60, %div3A : i32
    %while3A = arith.constant 0 : i32
    %while3A_61 = arith.subi %select_n3A, %while3A : i32
    %while3A_62 = arith.addi %while3A, %while3A_61 : i32
    %while3A_63 = arith.constant 1 : i32
    %while3A_64 = arith.divsi %while3A_61, %while3A_63 : i32
    %while3A_65 = arith.muli %while3A_64, %while3A_63 : i32
    %while3A_66 = arith.addi %while3A, %while3A_65 : i32
    %while3A_67 = arith.constant 1 : i32
    %while3A_68 = scf.for %while3A_136 = %while3A to %while3A_66 step %while3A_67 iter_args(%while3A_137 = %broadcast_in_dim3A_43) -> (vector<64x128xf32>)  : i32 {
      %mul3A_138 = arith.constant 2 : i32
      %mul3A_139 = arith.muli %mul3A_138, %while3A_136 : i32
      %add3A_140 = arith.addi %get3A_38, %mul3A_139 : i32
      %mul3A_141 = arith.constant 64 : i32
      %mul3A_142 = arith.muli %add3A_140, %mul3A_141 : i32
      %get3A_143 = arith.index_cast %mul3A_142 : i32 to index
      %get3A_144 = arith.constant 0 : index
      %get3A_145 = vector.load %arg15[%get3A_143, %get3A_144] : memref<10240x64xf32, #tpu.memory_space<vmem>>, vector<64x64xf32>
      %concatenate3A_146 = tpu.concatenate %get3A_145, %get3A_145 in 1 : vector<64x64xf32>, vector<64x64xf32> -> vector<64x128xf32>
      %convert_element_type3A_147 = arith.truncf %concatenate3A_146 : vector<64x128xf32> to vector<64x128xbf16>
      %broadcast_in_dim3A_148 = vector.shape_cast %convert_element_type3A_33 : vector<64x128xbf16> to vector<64x1x128xbf16>
      %broadcast_in_dim3A_149 = vector.shape_cast %convert_element_type3A_147 : vector<64x128xbf16> to vector<1x64x128xbf16>
      %add3A_150 = vector.broadcast %broadcast_in_dim3A_148 : vector<64x1x128xbf16> to vector<64x64x128xbf16>
      %add3A_151 = vector.broadcast %broadcast_in_dim3A_149 : vector<1x64x128xbf16> to vector<64x64x128xbf16>
      %add3A_152 = arith.addf %add3A_150, %add3A_151 : vector<64x64x128xbf16>
      %mul3A_153 = arith.constant 5.000000e-01 : bf16
      %mul3A_154 = vector.broadcast %mul3A_153 : bf16 to vector<64x64x128xbf16>
      %mul3A_155 = arith.mulf %mul3A_154, %add3A_152 : vector<64x64x128xbf16>
      %tanh3A_156 = math.tanh %mul3A_155 : vector<64x64x128xbf16>
      %mul3A_157 = arith.constant 5.000000e-01 : bf16
      %mul3A_158 = vector.broadcast %mul3A_157 : bf16 to vector<64x64x128xbf16>
      %mul3A_159 = arith.mulf %mul3A_158, %tanh3A_156 : vector<64x64x128xbf16>
      %add3A_160 = arith.constant 5.000000e-01 : bf16
      %add3A_161 = vector.broadcast %add3A_160 : bf16 to vector<64x64x128xbf16>
      %add3A_162 = arith.addf %add3A_161, %mul3A_159 : vector<64x64x128xbf16>
      %mul3A_163 = arith.mulf %add3A_152, %add3A_162 : vector<64x64x128xbf16>
      %reshape3A = vector.shape_cast %mul3A_163 : vector<64x64x128xbf16> to vector<4096x128xbf16>
      %dot_general3A_164 = arith.constant dense<0.000000e+00> : vector<4096x128xf32>
      %dot_general3A_165 = tpu.matmul %reshape3A, %convert_element_type3A_34, %dot_general3A_164 {dimension_numbers = #tpu.dot_dimension_numbers<[1], [1], [0], [0], [0, 0, 1, 0], [], []>, transpose_lhs_hint = false} : vector<4096x128xbf16>, vector<128x128xbf16>, vector<4096x128xf32> -> vector<4096x128xf32>
      %convert_element_type3A_166 = arith.truncf %dot_general3A_165 : vector<4096x128xf32> to vector<4096x128xbf16>
      %add3A_167 = vector.broadcast %convert_element_type3A_35 : vector<1x128xbf16> to vector<4096x128xbf16>
      %add3A_168 = arith.addf %convert_element_type3A_166, %add3A_167 : vector<4096x128xbf16>
      %mul3A_169 = arith.constant 5.000000e-01 : bf16
      %mul3A_170 = vector.broadcast %mul3A_169 : bf16 to vector<4096x128xbf16>
      %mul3A_171 = arith.mulf %mul3A_170, %add3A_168 : vector<4096x128xbf16>
      %tanh3A_172 = math.tanh %mul3A_171 : vector<4096x128xbf16>
      %mul3A_173 = arith.constant 5.000000e-01 : bf16
      %mul3A_174 = vector.broadcast %mul3A_173 : bf16 to vector<4096x128xbf16>
      %mul3A_175 = arith.mulf %mul3A_174, %tanh3A_172 : vector<4096x128xbf16>
      %add3A_176 = arith.constant 5.000000e-01 : bf16
      %add3A_177 = vector.broadcast %add3A_176 : bf16 to vector<4096x128xbf16>
      %add3A_178 = arith.addf %add3A_177, %mul3A_175 : vector<4096x128xbf16>
      %mul3A_179 = arith.mulf %add3A_168, %add3A_178 : vector<4096x128xbf16>
      %reshape3A_180 = vector.shape_cast %mul3A_179 : vector<4096x128xbf16> to vector<64x64x128xbf16>
      %mul3A_181 = arith.constant 64 : i32
      %mul3A_182 = arith.muli %add3A_140, %mul3A_181 : i32
      %get3A_183 = arith.index_cast %mul3A_182 : i32 to index
      %get3A_184 = arith.constant 0 : index
      %get3A_185 = vector.load %arg2[%get3A_183, %get3A_184] : memref<10240x1xi32, #tpu.memory_space<vmem>>, vector<64x1xi32>
      %broadcast_in_dim3A_186 = vector.shape_cast %get3A_185 : vector<64x1xi32> to vector<64x1xi32>
      %broadcast_in_dim3A_187 = vector.broadcast %broadcast_in_dim3A_186 : vector<64x1xi32> to vector<64x64xi32>
      %concatenate3A_188 = tpu.concatenate %broadcast_in_dim3A_187, %broadcast_in_dim3A_187 in 1 : vector<64x64xi32>, vector<64x64xi32> -> vector<64x128xi32>
      %broadcast_in_dim3A_189 = vector.shape_cast %concatenate3A_26 : vector<64x128xi32> to vector<64x1x128xi32>
      %broadcast_in_dim3A_190 = vector.shape_cast %concatenate3A_188 : vector<64x128xi32> to vector<1x64x128xi32>
      %eq3A_191 = vector.broadcast %broadcast_in_dim3A_189 : vector<64x1x128xi32> to vector<64x64x128xi32>
      %eq3A_192 = vector.broadcast %broadcast_in_dim3A_190 : vector<1x64x128xi32> to vector<64x64x128xi32>
      %eq3A_193 = arith.cmpi eq, %eq3A_191, %eq3A_192 : vector<64x64x128xi32>
      %jit3A_194 = arith.constant 0.000000e+00 : bf16
      %broadcast_in_dim3A_195 = vector.broadcast %jit3A_194 : bf16 to vector<64x64x128xbf16>
      %select_n3A_196 = arith.select %eq3A_193, %reshape3A_180, %broadcast_in_dim3A_195 : vector<64x64x128xi1>, vector<64x64x128xbf16>
      %convert_element_type3A_197 = arith.extf %select_n3A_196 : vector<64x64x128xbf16> to vector<64x64x128xf32>
      %reduce_sum3A = arith.constant dense<0.000000e+00> : vector<64x128xf32>
      %reduce_sum3A_198 = vector.multi_reduction <add>, %convert_element_type3A_197, %reduce_sum3A [1] : vector<64x64x128xf32> to vector<64x128xf32>
      %add3A_199 = arith.addf %while3A_137, %reduce_sum3A_198 : vector<64x128xf32>
      %add3A_200 = arith.constant 1 : i32
      %add3A_201 = arith.addi %add3A_140, %add3A_200 : i32
      %mul3A_202 = arith.constant 64 : i32
      %mul3A_203 = arith.muli %add3A_201, %mul3A_202 : i32
      %get3A_204 = arith.index_cast %mul3A_203 : i32 to index
      %get3A_205 = arith.constant 0 : index
      %get3A_206 = vector.load %arg15[%get3A_204, %get3A_205] : memref<10240x64xf32, #tpu.memory_space<vmem>>, vector<64x64xf32>
      %concatenate3A_207 = tpu.concatenate %get3A_206, %get3A_206 in 1 : vector<64x64xf32>, vector<64x64xf32> -> vector<64x128xf32>
      %convert_element_type3A_208 = arith.truncf %concatenate3A_207 : vector<64x128xf32> to vector<64x128xbf16>
      %broadcast_in_dim3A_209 = vector.shape_cast %convert_element_type3A_33 : vector<64x128xbf16> to vector<64x1x128xbf16>
      %broadcast_in_dim3A_210 = vector.shape_cast %convert_element_type3A_208 : vector<64x128xbf16> to vector<1x64x128xbf16>
      %add3A_211 = vector.broadcast %broadcast_in_dim3A_209 : vector<64x1x128xbf16> to vector<64x64x128xbf16>
      %add3A_212 = vector.broadcast %broadcast_in_dim3A_210 : vector<1x64x128xbf16> to vector<64x64x128xbf16>
      %add3A_213 = arith.addf %add3A_211, %add3A_212 : vector<64x64x128xbf16>
      %mul3A_214 = arith.constant 5.000000e-01 : bf16
      %mul3A_215 = vector.broadcast %mul3A_214 : bf16 to vector<64x64x128xbf16>
      %mul3A_216 = arith.mulf %mul3A_215, %add3A_213 : vector<64x64x128xbf16>
      %tanh3A_217 = math.tanh %mul3A_216 : vector<64x64x128xbf16>
      %mul3A_218 = arith.constant 5.000000e-01 : bf16
      %mul3A_219 = vector.broadcast %mul3A_218 : bf16 to vector<64x64x128xbf16>
      %mul3A_220 = arith.mulf %mul3A_219, %tanh3A_217 : vector<64x64x128xbf16>
      %add3A_221 = arith.constant 5.000000e-01 : bf16
      %add3A_222 = vector.broadcast %add3A_221 : bf16 to vector<64x64x128xbf16>
      %add3A_223 = arith.addf %add3A_222, %mul3A_220 : vector<64x64x128xbf16>
      %mul3A_224 = arith.mulf %add3A_213, %add3A_223 : vector<64x64x128xbf16>
      %reshape3A_225 = vector.shape_cast %mul3A_224 : vector<64x64x128xbf16> to vector<4096x128xbf16>
      %dot_general3A_226 = arith.constant dense<0.000000e+00> : vector<4096x128xf32>
      %dot_general3A_227 = tpu.matmul %reshape3A_225, %convert_element_type3A_34, %dot_general3A_226 {dimension_numbers = #tpu.dot_dimension_numbers<[1], [1], [0], [0], [0, 0, 1, 0], [], []>, transpose_lhs_hint = false} : vector<4096x128xbf16>, vector<128x128xbf16>, vector<4096x128xf32> -> vector<4096x128xf32>
      %convert_element_type3A_228 = arith.truncf %dot_general3A_227 : vector<4096x128xf32> to vector<4096x128xbf16>
      %add3A_229 = vector.broadcast %convert_element_type3A_35 : vector<1x128xbf16> to vector<4096x128xbf16>
      %add3A_230 = arith.addf %convert_element_type3A_228, %add3A_229 : vector<4096x128xbf16>
      %mul3A_231 = arith.constant 5.000000e-01 : bf16
      %mul3A_232 = vector.broadcast %mul3A_231 : bf16 to vector<4096x128xbf16>
      %mul3A_233 = arith.mulf %mul3A_232, %add3A_230 : vector<4096x128xbf16>
      %tanh3A_234 = math.tanh %mul3A_233 : vector<4096x128xbf16>
      %mul3A_235 = arith.constant 5.000000e-01 : bf16
      %mul3A_236 = vector.broadcast %mul3A_235 : bf16 to vector<4096x128xbf16>
      %mul3A_237 = arith.mulf %mul3A_236, %tanh3A_234 : vector<4096x128xbf16>
      %add3A_238 = arith.constant 5.000000e-01 : bf16
      %add3A_239 = vector.broadcast %add3A_238 : bf16 to vector<4096x128xbf16>
      %add3A_240 = arith.addf %add3A_239, %mul3A_237 : vector<4096x128xbf16>
      %mul3A_241 = arith.mulf %add3A_230, %add3A_240 : vector<4096x128xbf16>
      %reshape3A_242 = vector.shape_cast %mul3A_241 : vector<4096x128xbf16> to vector<64x64x128xbf16>
      %mul3A_243 = arith.constant 64 : i32
      %mul3A_244 = arith.muli %add3A_201, %mul3A_243 : i32
      %get3A_245 = arith.index_cast %mul3A_244 : i32 to index
      %get3A_246 = arith.constant 0 : index
      %get3A_247 = vector.load %arg2[%get3A_245, %get3A_246] : memref<10240x1xi32, #tpu.memory_space<vmem>>, vector<64x1xi32>
      %broadcast_in_dim3A_248 = vector.shape_cast %get3A_247 : vector<64x1xi32> to vector<64x1xi32>
      %broadcast_in_dim3A_249 = vector.broadcast %broadcast_in_dim3A_248 : vector<64x1xi32> to vector<64x64xi32>
      %concatenate3A_250 = tpu.concatenate %broadcast_in_dim3A_249, %broadcast_in_dim3A_249 in 1 : vector<64x64xi32>, vector<64x64xi32> -> vector<64x128xi32>
      %broadcast_in_dim3A_251 = vector.shape_cast %concatenate3A_26 : vector<64x128xi32> to vector<64x1x128xi32>
      %broadcast_in_dim3A_252 = vector.shape_cast %concatenate3A_250 : vector<64x128xi32> to vector<1x64x128xi32>
      %eq3A_253 = vector.broadcast %broadcast_in_dim3A_251 : vector<64x1x128xi32> to vector<64x64x128xi32>
      %eq3A_254 = vector.broadcast %broadcast_in_dim3A_252 : vector<1x64x128xi32> to vector<64x64x128xi32>
      %eq3A_255 = arith.cmpi eq, %eq3A_253, %eq3A_254 : vector<64x64x128xi32>
      %jit3A_256 = arith.constant 0.000000e+00 : bf16
      %broadcast_in_dim3A_257 = vector.broadcast %jit3A_256 : bf16 to vector<64x64x128xbf16>
      %select_n3A_258 = arith.select %eq3A_255, %reshape3A_242, %broadcast_in_dim3A_257 : vector<64x64x128xi1>, vector<64x64x128xbf16>
      %convert_element_type3A_259 = arith.extf %select_n3A_258 : vector<64x64x128xbf16> to vector<64x64x128xf32>
      %reduce_sum3A_260 = arith.constant dense<0.000000e+00> : vector<64x128xf32>
      %reduce_sum3A_261 = vector.multi_reduction <add>, %convert_element_type3A_259, %reduce_sum3A_260 [1] : vector<64x64x128xf32> to vector<64x128xf32>
      %add3A_262 = arith.addf %add3A_199, %reduce_sum3A_261 : vector<64x128xf32>
      scf.yield %add3A_262 : vector<64x128xf32>
    }
    %while3A_69 = arith.constant 1 : i32
    %while3A_70 = scf.for %while3A_136 = %while3A_66 to %while3A_62 step %while3A_69 iter_args(%while3A_137 = %while3A_68) -> (vector<64x128xf32>)  : i32 {
      %mul3A_138 = arith.constant 2 : i32
      %mul3A_139 = arith.muli %mul3A_138, %while3A_136 : i32
      %add3A_140 = arith.addi %get3A_38, %mul3A_139 : i32
      %mul3A_141 = arith.constant 64 : i32
      %mul3A_142 = arith.muli %add3A_140, %mul3A_141 : i32
      %get3A_143 = arith.index_cast %mul3A_142 : i32 to index
      %get3A_144 = arith.constant 0 : index
      %get3A_145 = vector.load %arg15[%get3A_143, %get3A_144] : memref<10240x64xf32, #tpu.memory_space<vmem>>, vector<64x64xf32>
      %concatenate3A_146 = tpu.concatenate %get3A_145, %get3A_145 in 1 : vector<64x64xf32>, vector<64x64xf32> -> vector<64x128xf32>
      %convert_element_type3A_147 = arith.truncf %concatenate3A_146 : vector<64x128xf32> to vector<64x128xbf16>
      %broadcast_in_dim3A_148 = vector.shape_cast %convert_element_type3A_33 : vector<64x128xbf16> to vector<64x1x128xbf16>
      %broadcast_in_dim3A_149 = vector.shape_cast %convert_element_type3A_147 : vector<64x128xbf16> to vector<1x64x128xbf16>
      %add3A_150 = vector.broadcast %broadcast_in_dim3A_148 : vector<64x1x128xbf16> to vector<64x64x128xbf16>
      %add3A_151 = vector.broadcast %broadcast_in_dim3A_149 : vector<1x64x128xbf16> to vector<64x64x128xbf16>
      %add3A_152 = arith.addf %add3A_150, %add3A_151 : vector<64x64x128xbf16>
      %mul3A_153 = arith.constant 5.000000e-01 : bf16
      %mul3A_154 = vector.broadcast %mul3A_153 : bf16 to vector<64x64x128xbf16>
      %mul3A_155 = arith.mulf %mul3A_154, %add3A_152 : vector<64x64x128xbf16>
      %tanh3A_156 = math.tanh %mul3A_155 : vector<64x64x128xbf16>
      %mul3A_157 = arith.constant 5.000000e-01 : bf16
      %mul3A_158 = vector.broadcast %mul3A_157 : bf16 to vector<64x64x128xbf16>
      %mul3A_159 = arith.mulf %mul3A_158, %tanh3A_156 : vector<64x64x128xbf16>
      %add3A_160 = arith.constant 5.000000e-01 : bf16
      %add3A_161 = vector.broadcast %add3A_160 : bf16 to vector<64x64x128xbf16>
      %add3A_162 = arith.addf %add3A_161, %mul3A_159 : vector<64x64x128xbf16>
      %mul3A_163 = arith.mulf %add3A_152, %add3A_162 : vector<64x64x128xbf16>
      %reshape3A = vector.shape_cast %mul3A_163 : vector<64x64x128xbf16> to vector<4096x128xbf16>
      %dot_general3A_164 = arith.constant dense<0.000000e+00> : vector<4096x128xf32>
      %dot_general3A_165 = tpu.matmul %reshape3A, %convert_element_type3A_34, %dot_general3A_164 {dimension_numbers = #tpu.dot_dimension_numbers<[1], [1], [0], [0], [0, 0, 1, 0], [], []>, transpose_lhs_hint = false} : vector<4096x128xbf16>, vector<128x128xbf16>, vector<4096x128xf32> -> vector<4096x128xf32>
      %convert_element_type3A_166 = arith.truncf %dot_general3A_165 : vector<4096x128xf32> to vector<4096x128xbf16>
      %add3A_167 = vector.broadcast %convert_element_type3A_35 : vector<1x128xbf16> to vector<4096x128xbf16>
      %add3A_168 = arith.addf %convert_element_type3A_166, %add3A_167 : vector<4096x128xbf16>
      %mul3A_169 = arith.constant 5.000000e-01 : bf16
      %mul3A_170 = vector.broadcast %mul3A_169 : bf16 to vector<4096x128xbf16>
      %mul3A_171 = arith.mulf %mul3A_170, %add3A_168 : vector<4096x128xbf16>
      %tanh3A_172 = math.tanh %mul3A_171 : vector<4096x128xbf16>
      %mul3A_173 = arith.constant 5.000000e-01 : bf16
      %mul3A_174 = vector.broadcast %mul3A_173 : bf16 to vector<4096x128xbf16>
      %mul3A_175 = arith.mulf %mul3A_174, %tanh3A_172 : vector<4096x128xbf16>
      %add3A_176 = arith.constant 5.000000e-01 : bf16
      %add3A_177 = vector.broadcast %add3A_176 : bf16 to vector<4096x128xbf16>
      %add3A_178 = arith.addf %add3A_177, %mul3A_175 : vector<4096x128xbf16>
      %mul3A_179 = arith.mulf %add3A_168, %add3A_178 : vector<4096x128xbf16>
      %reshape3A_180 = vector.shape_cast %mul3A_179 : vector<4096x128xbf16> to vector<64x64x128xbf16>
      %mul3A_181 = arith.constant 64 : i32
      %mul3A_182 = arith.muli %add3A_140, %mul3A_181 : i32
      %get3A_183 = arith.index_cast %mul3A_182 : i32 to index
      %get3A_184 = arith.constant 0 : index
      %get3A_185 = vector.load %arg2[%get3A_183, %get3A_184] : memref<10240x1xi32, #tpu.memory_space<vmem>>, vector<64x1xi32>
      %broadcast_in_dim3A_186 = vector.shape_cast %get3A_185 : vector<64x1xi32> to vector<64x1xi32>
      %broadcast_in_dim3A_187 = vector.broadcast %broadcast_in_dim3A_186 : vector<64x1xi32> to vector<64x64xi32>
      %concatenate3A_188 = tpu.concatenate %broadcast_in_dim3A_187, %broadcast_in_dim3A_187 in 1 : vector<64x64xi32>, vector<64x64xi32> -> vector<64x128xi32>
      %broadcast_in_dim3A_189 = vector.shape_cast %concatenate3A_26 : vector<64x128xi32> to vector<64x1x128xi32>
      %broadcast_in_dim3A_190 = vector.shape_cast %concatenate3A_188 : vector<64x128xi32> to vector<1x64x128xi32>
      %eq3A_191 = vector.broadcast %broadcast_in_dim3A_189 : vector<64x1x128xi32> to vector<64x64x128xi32>
      %eq3A_192 = vector.broadcast %broadcast_in_dim3A_190 : vector<1x64x128xi32> to vector<64x64x128xi32>
      %eq3A_193 = arith.cmpi eq, %eq3A_191, %eq3A_192 : vector<64x64x128xi32>
      %jit3A_194 = arith.constant 0.000000e+00 : bf16
      %broadcast_in_dim3A_195 = vector.broadcast %jit3A_194 : bf16 to vector<64x64x128xbf16>
      %select_n3A_196 = arith.select %eq3A_193, %reshape3A_180, %broadcast_in_dim3A_195 : vector<64x64x128xi1>, vector<64x64x128xbf16>
      %convert_element_type3A_197 = arith.extf %select_n3A_196 : vector<64x64x128xbf16> to vector<64x64x128xf32>
      %reduce_sum3A = arith.constant dense<0.000000e+00> : vector<64x128xf32>
      %reduce_sum3A_198 = vector.multi_reduction <add>, %convert_element_type3A_197, %reduce_sum3A [1] : vector<64x64x128xf32> to vector<64x128xf32>
      %add3A_199 = arith.addf %while3A_137, %reduce_sum3A_198 : vector<64x128xf32>
      %add3A_200 = arith.constant 1 : i32
      %add3A_201 = arith.addi %add3A_140, %add3A_200 : i32
      %mul3A_202 = arith.constant 64 : i32
      %mul3A_203 = arith.muli %add3A_201, %mul3A_202 : i32
      %get3A_204 = arith.index_cast %mul3A_203 : i32 to index
      %get3A_205 = arith.constant 0 : index
      %get3A_206 = vector.load %arg15[%get3A_204, %get3A_205] : memref<10240x64xf32, #tpu.memory_space<vmem>>, vector<64x64xf32>
      %concatenate3A_207 = tpu.concatenate %get3A_206, %get3A_206 in 1 : vector<64x64xf32>, vector<64x64xf32> -> vector<64x128xf32>
      %convert_element_type3A_208 = arith.truncf %concatenate3A_207 : vector<64x128xf32> to vector<64x128xbf16>
      %broadcast_in_dim3A_209 = vector.shape_cast %convert_element_type3A_33 : vector<64x128xbf16> to vector<64x1x128xbf16>
      %broadcast_in_dim3A_210 = vector.shape_cast %convert_element_type3A_208 : vector<64x128xbf16> to vector<1x64x128xbf16>
      %add3A_211 = vector.broadcast %broadcast_in_dim3A_209 : vector<64x1x128xbf16> to vector<64x64x128xbf16>
      %add3A_212 = vector.broadcast %broadcast_in_dim3A_210 : vector<1x64x128xbf16> to vector<64x64x128xbf16>
      %add3A_213 = arith.addf %add3A_211, %add3A_212 : vector<64x64x128xbf16>
      %mul3A_214 = arith.constant 5.000000e-01 : bf16
      %mul3A_215 = vector.broadcast %mul3A_214 : bf16 to vector<64x64x128xbf16>
      %mul3A_216 = arith.mulf %mul3A_215, %add3A_213 : vector<64x64x128xbf16>
      %tanh3A_217 = math.tanh %mul3A_216 : vector<64x64x128xbf16>
      %mul3A_218 = arith.constant 5.000000e-01 : bf16
      %mul3A_219 = vector.broadcast %mul3A_218 : bf16 to vector<64x64x128xbf16>
      %mul3A_220 = arith.mulf %mul3A_219, %tanh3A_217 : vector<64x64x128xbf16>
      %add3A_221 = arith.constant 5.000000e-01 : bf16
      %add3A_222 = vector.broadcast %add3A_221 : bf16 to vector<64x64x128xbf16>
      %add3A_223 = arith.addf %add3A_222, %mul3A_220 : vector<64x64x128xbf16>
      %mul3A_224 = arith.mulf %add3A_213, %add3A_223 : vector<64x64x128xbf16>
      %reshape3A_225 = vector.shape_cast %mul3A_224 : vector<64x64x128xbf16> to vector<4096x128xbf16>
      %dot_general3A_226 = arith.constant dense<0.000000e+00> : vector<4096x128xf32>
      %dot_general3A_227 = tpu.matmul %reshape3A_225, %convert_element_type3A_34, %dot_general3A_226 {dimension_numbers = #tpu.dot_dimension_numbers<[1], [1], [0], [0], [0, 0, 1, 0], [], []>, transpose_lhs_hint = false} : vector<4096x128xbf16>, vector<128x128xbf16>, vector<4096x128xf32> -> vector<4096x128xf32>
      %convert_element_type3A_228 = arith.truncf %dot_general3A_227 : vector<4096x128xf32> to vector<4096x128xbf16>
      %add3A_229 = vector.broadcast %convert_element_type3A_35 : vector<1x128xbf16> to vector<4096x128xbf16>
      %add3A_230 = arith.addf %convert_element_type3A_228, %add3A_229 : vector<4096x128xbf16>
      %mul3A_231 = arith.constant 5.000000e-01 : bf16
      %mul3A_232 = vector.broadcast %mul3A_231 : bf16 to vector<4096x128xbf16>
      %mul3A_233 = arith.mulf %mul3A_232, %add3A_230 : vector<4096x128xbf16>
      %tanh3A_234 = math.tanh %mul3A_233 : vector<4096x128xbf16>
      %mul3A_235 = arith.constant 5.000000e-01 : bf16
      %mul3A_236 = vector.broadcast %mul3A_235 : bf16 to vector<4096x128xbf16>
      %mul3A_237 = arith.mulf %mul3A_236, %tanh3A_234 : vector<4096x128xbf16>
      %add3A_238 = arith.constant 5.000000e-01 : bf16
      %add3A_239 = vector.broadcast %add3A_238 : bf16 to vector<4096x128xbf16>
      %add3A_240 = arith.addf %add3A_239, %mul3A_237 : vector<4096x128xbf16>
      %mul3A_241 = arith.mulf %add3A_230, %add3A_240 : vector<4096x128xbf16>
      %reshape3A_242 = vector.shape_cast %mul3A_241 : vector<4096x128xbf16> to vector<64x64x128xbf16>
      %mul3A_243 = arith.constant 64 : i32
      %mul3A_244 = arith.muli %add3A_201, %mul3A_243 : i32
      %get3A_245 = arith.index_cast %mul3A_244 : i32 to index
      %get3A_246 = arith.constant 0 : index
      %get3A_247 = vector.load %arg2[%get3A_245, %get3A_246] : memref<10240x1xi32, #tpu.memory_space<vmem>>, vector<64x1xi32>
      %broadcast_in_dim3A_248 = vector.shape_cast %get3A_247 : vector<64x1xi32> to vector<64x1xi32>
      %broadcast_in_dim3A_249 = vector.broadcast %broadcast_in_dim3A_248 : vector<64x1xi32> to vector<64x64xi32>
      %concatenate3A_250 = tpu.concatenate %broadcast_in_dim3A_249, %broadcast_in_dim3A_249 in 1 : vector<64x64xi32>, vector<64x64xi32> -> vector<64x128xi32>
      %broadcast_in_dim3A_251 = vector.shape_cast %concatenate3A_26 : vector<64x128xi32> to vector<64x1x128xi32>
      %broadcast_in_dim3A_252 = vector.shape_cast %concatenate3A_250 : vector<64x128xi32> to vector<1x64x128xi32>
      %eq3A_253 = vector.broadcast %broadcast_in_dim3A_251 : vector<64x1x128xi32> to vector<64x64x128xi32>
      %eq3A_254 = vector.broadcast %broadcast_in_dim3A_252 : vector<1x64x128xi32> to vector<64x64x128xi32>
      %eq3A_255 = arith.cmpi eq, %eq3A_253, %eq3A_254 : vector<64x64x128xi32>
      %jit3A_256 = arith.constant 0.000000e+00 : bf16
      %broadcast_in_dim3A_257 = vector.broadcast %jit3A_256 : bf16 to vector<64x64x128xbf16>
      %select_n3A_258 = arith.select %eq3A_255, %reshape3A_242, %broadcast_in_dim3A_257 : vector<64x64x128xi1>, vector<64x64x128xbf16>
      %convert_element_type3A_259 = arith.extf %select_n3A_258 : vector<64x64x128xbf16> to vector<64x64x128xf32>
      %reduce_sum3A_260 = arith.constant dense<0.000000e+00> : vector<64x128xf32>
      %reduce_sum3A_261 = vector.multi_reduction <add>, %convert_element_type3A_259, %reduce_sum3A_260 [1] : vector<64x64x128xf32> to vector<64x128xf32>
      %add3A_262 = arith.addf %add3A_199, %reduce_sum3A_261 : vector<64x128xf32>
      scf.yield %add3A_262 : vector<64x128xf32>
    }
    %sub3A_71 = arith.subi %get3A_41, %get3A_38 : i32
    %jit3A_72 = arith.constant 2 : i32
    %eq3A_73 = arith.constant 0 : i32
    %eq3A_74 = arith.cmpi eq, %jit3A_72, %eq3A_73 : i32
    %jit3A_75 = arith.constant 1 : i32
    %select_n3A_76 = arith.select %eq3A_74, %jit3A_75, %jit3A_72 : i32
    %rem3A_77 = arith.remsi %sub3A_71, %select_n3A_76 : i32
    %ne3A_78 = arith.constant 0 : i32
    %ne3A_79 = arith.cmpi ne, %rem3A_77, %ne3A_78 : i32
    %lt3A = arith.constant 0 : i32
    %lt3A_80 = arith.cmpi slt, %rem3A_77, %lt3A : i32
    %lt3A_81 = arith.constant 0 : i32
    %lt3A_82 = arith.cmpi slt, %select_n3A_76, %lt3A_81 : i32
    %ne3A_83 = arith.xori %lt3A_80, %lt3A_82 : i1
    %and3A_84 = arith.andi %ne3A_83, %ne3A_79 : i1
    %add3A_85 = arith.addi %rem3A_77, %select_n3A_76 : i32
    %select_n3A_86 = arith.select %and3A_84, %add3A_85, %rem3A_77 : i32
    %eq3A_87 = arith.constant 1 : i32
    %eq3A_88 = arith.cmpi eq, %select_n3A_86, %eq3A_87 : i32
    %convert_element_type3A_89 = arith.extui %eq3A_88 : i1 to i32
    %cond3A_90 = arith.constant 0 : i32
    %cond3A_91 = arith.cmpi ne, %convert_element_type3A_89, %cond3A_90 : i32
    %cond3A_92 = scf.if %cond3A_91 -> (vector<64x128xf32>) {
      %sub3A_136 = arith.constant 1 : i32
      %sub3A_137 = arith.subi %get3A_41, %sub3A_136 : i32
      %mul3A_138 = arith.constant 64 : i32
      %mul3A_139 = arith.muli %sub3A_137, %mul3A_138 : i32
      %get3A_140 = arith.index_cast %mul3A_139 : i32 to index
      %get3A_141 = arith.constant 0 : index
      %get3A_142 = vector.load %arg15[%get3A_140, %get3A_141] : memref<10240x64xf32, #tpu.memory_space<vmem>>, vector<64x64xf32>
      %concatenate3A_143 = tpu.concatenate %get3A_142, %get3A_142 in 1 : vector<64x64xf32>, vector<64x64xf32> -> vector<64x128xf32>
      %convert_element_type3A_144 = arith.truncf %concatenate3A_143 : vector<64x128xf32> to vector<64x128xbf16>
      %broadcast_in_dim3A_145 = vector.shape_cast %convert_element_type3A_33 : vector<64x128xbf16> to vector<64x1x128xbf16>
      %broadcast_in_dim3A_146 = vector.shape_cast %convert_element_type3A_144 : vector<64x128xbf16> to vector<1x64x128xbf16>
      %add3A_147 = vector.broadcast %broadcast_in_dim3A_145 : vector<64x1x128xbf16> to vector<64x64x128xbf16>
      %add3A_148 = vector.broadcast %broadcast_in_dim3A_146 : vector<1x64x128xbf16> to vector<64x64x128xbf16>
      %add3A_149 = arith.addf %add3A_147, %add3A_148 : vector<64x64x128xbf16>
      %mul3A_150 = arith.constant 5.000000e-01 : bf16
      %mul3A_151 = vector.broadcast %mul3A_150 : bf16 to vector<64x64x128xbf16>
      %mul3A_152 = arith.mulf %mul3A_151, %add3A_149 : vector<64x64x128xbf16>
      %tanh3A_153 = math.tanh %mul3A_152 : vector<64x64x128xbf16>
      %mul3A_154 = arith.constant 5.000000e-01 : bf16
      %mul3A_155 = vector.broadcast %mul3A_154 : bf16 to vector<64x64x128xbf16>
      %mul3A_156 = arith.mulf %mul3A_155, %tanh3A_153 : vector<64x64x128xbf16>
      %add3A_157 = arith.constant 5.000000e-01 : bf16
      %add3A_158 = vector.broadcast %add3A_157 : bf16 to vector<64x64x128xbf16>
      %add3A_159 = arith.addf %add3A_158, %mul3A_156 : vector<64x64x128xbf16>
      %mul3A_160 = arith.mulf %add3A_149, %add3A_159 : vector<64x64x128xbf16>
      %reshape3A = vector.shape_cast %mul3A_160 : vector<64x64x128xbf16> to vector<4096x128xbf16>
      %dot_general3A_161 = arith.constant dense<0.000000e+00> : vector<4096x128xf32>
      %dot_general3A_162 = tpu.matmul %reshape3A, %convert_element_type3A_34, %dot_general3A_161 {dimension_numbers = #tpu.dot_dimension_numbers<[1], [1], [0], [0], [0, 0, 1, 0], [], []>, transpose_lhs_hint = false} : vector<4096x128xbf16>, vector<128x128xbf16>, vector<4096x128xf32> -> vector<4096x128xf32>
      %convert_element_type3A_163 = arith.truncf %dot_general3A_162 : vector<4096x128xf32> to vector<4096x128xbf16>
      %add3A_164 = vector.broadcast %convert_element_type3A_35 : vector<1x128xbf16> to vector<4096x128xbf16>
      %add3A_165 = arith.addf %convert_element_type3A_163, %add3A_164 : vector<4096x128xbf16>
      %mul3A_166 = arith.constant 5.000000e-01 : bf16
      %mul3A_167 = vector.broadcast %mul3A_166 : bf16 to vector<4096x128xbf16>
      %mul3A_168 = arith.mulf %mul3A_167, %add3A_165 : vector<4096x128xbf16>
      %tanh3A_169 = math.tanh %mul3A_168 : vector<4096x128xbf16>
      %mul3A_170 = arith.constant 5.000000e-01 : bf16
      %mul3A_171 = vector.broadcast %mul3A_170 : bf16 to vector<4096x128xbf16>
      %mul3A_172 = arith.mulf %mul3A_171, %tanh3A_169 : vector<4096x128xbf16>
      %add3A_173 = arith.constant 5.000000e-01 : bf16
      %add3A_174 = vector.broadcast %add3A_173 : bf16 to vector<4096x128xbf16>
      %add3A_175 = arith.addf %add3A_174, %mul3A_172 : vector<4096x128xbf16>
      %mul3A_176 = arith.mulf %add3A_165, %add3A_175 : vector<4096x128xbf16>
      %reshape3A_177 = vector.shape_cast %mul3A_176 : vector<4096x128xbf16> to vector<64x64x128xbf16>
      %mul3A_178 = arith.constant 64 : i32
      %mul3A_179 = arith.muli %sub3A_137, %mul3A_178 : i32
      %get3A_180 = arith.index_cast %mul3A_179 : i32 to index
      %get3A_181 = arith.constant 0 : index
      %get3A_182 = vector.load %arg2[%get3A_180, %get3A_181] : memref<10240x1xi32, #tpu.memory_space<vmem>>, vector<64x1xi32>
      %broadcast_in_dim3A_183 = vector.shape_cast %get3A_182 : vector<64x1xi32> to vector<64x1xi32>
      %broadcast_in_dim3A_184 = vector.broadcast %broadcast_in_dim3A_183 : vector<64x1xi32> to vector<64x64xi32>
      %concatenate3A_185 = tpu.concatenate %broadcast_in_dim3A_184, %broadcast_in_dim3A_184 in 1 : vector<64x64xi32>, vector<64x64xi32> -> vector<64x128xi32>
      %broadcast_in_dim3A_186 = vector.shape_cast %concatenate3A_26 : vector<64x128xi32> to vector<64x1x128xi32>
      %broadcast_in_dim3A_187 = vector.shape_cast %concatenate3A_185 : vector<64x128xi32> to vector<1x64x128xi32>
      %eq3A_188 = vector.broadcast %broadcast_in_dim3A_186 : vector<64x1x128xi32> to vector<64x64x128xi32>
      %eq3A_189 = vector.broadcast %broadcast_in_dim3A_187 : vector<1x64x128xi32> to vector<64x64x128xi32>
      %eq3A_190 = arith.cmpi eq, %eq3A_188, %eq3A_189 : vector<64x64x128xi32>
      %jit3A_191 = arith.constant 0.000000e+00 : bf16
      %broadcast_in_dim3A_192 = vector.broadcast %jit3A_191 : bf16 to vector<64x64x128xbf16>
      %select_n3A_193 = arith.select %eq3A_190, %reshape3A_177, %broadcast_in_dim3A_192 : vector<64x64x128xi1>, vector<64x64x128xbf16>
      %convert_element_type3A_194 = arith.extf %select_n3A_193 : vector<64x64x128xbf16> to vector<64x64x128xf32>
      %reduce_sum3A = arith.constant dense<0.000000e+00> : vector<64x128xf32>
      %reduce_sum3A_195 = vector.multi_reduction <add>, %convert_element_type3A_194, %reduce_sum3A [1] : vector<64x64x128xf32> to vector<64x128xf32>
      %add3A_196 = arith.addf %while3A_70, %reduce_sum3A_195 : vector<64x128xf32>
      scf.yield %add3A_196 : vector<64x128xf32>
    } else {
      scf.yield %while3A_70 : vector<64x128xf32>
    }
    %mul3A_93 = arith.constant 0.00999999977 : f32
    %mul3A_94 = vector.broadcast %mul3A_93 : f32 to vector<64x128xf32>
    %mul3A_95 = arith.mulf %cond3A_92, %mul3A_94 : vector<64x128xf32>
    %slice3A = vector.extract_strided_slice %mul3A_95 {offsets = [0, 0], sizes = [64, 64], strides = [1, 1]} : vector<64x128xf32> to vector<64x64xf32>
    %slice3A_96 = vector.extract_strided_slice %mul3A_95 {offsets = [0, 64], sizes = [64, 64], strides = [1, 1]} : vector<64x128xf32> to vector<64x64xf32>
    %concatenate3A_97 = tpu.concatenate %slice3A, %slice3A_96 in 0 : vector<64x64xf32>, vector<64x64xf32> -> vector<128x64xf32>
    %mul3A_98 = arith.constant 128 : i32
    %mul3A_99 = arith.muli %arg0, %mul3A_98 : i32
    %get3A_100 = arith.index_cast %mul3A_99 : i32 to index
    %get3A_101 = arith.constant 0 : index
    %get3A_102 = vector.load %arg3[%get3A_100, %get3A_101] : memref<10240x64xf32, #tpu.memory_space<vmem>>, vector<128x64xf32>
    %concatenate3A_103 = tpu.concatenate %get3A_102, %concatenate3A_97 in 1 : vector<128x64xf32>, vector<128x64xf32> -> vector<128x128xf32>
    %get3A_104 = arith.constant 0 : index
    %get3A_105 = arith.constant 0 : index
    %get3A_106 = vector.load %arg9[%get3A_104, %get3A_105] : memref<64x128xf32, #tpu.memory_space<vmem>>, vector<64x128xf32>
    %dot_general3A = arith.constant dense<0.000000e+00> : vector<128x64xf32>
    %dot_general3A_107 = tpu.matmul %concatenate3A_103, %get3A_106, %dot_general3A {dimension_numbers = #tpu.dot_dimension_numbers<[1], [1], [0], [0], [0, 0, 1, 0], [], []>, transpose_lhs_hint = false} : vector<128x128xf32>, vector<64x128xf32>, vector<128x64xf32> -> vector<128x64xf32>
    %get3A_108 = arith.constant 0 : index
    %get3A_109 = arith.constant 0 : index
    %get3A_110 = vector.load %arg10[%get3A_108, %get3A_109] : memref<1x64xf32, #tpu.memory_space<vmem>>, vector<1x64xf32>
    %add3A_111 = vector.broadcast %get3A_110 : vector<1x64xf32> to vector<128x64xf32>
    %add3A_112 = arith.addf %dot_general3A_107, %add3A_111 : vector<128x64xf32>
    %mul3A_113 = arith.constant 5.000000e-01 : f32
    %mul3A_114 = vector.broadcast %mul3A_113 : f32 to vector<128x64xf32>
    %mul3A_115 = arith.mulf %mul3A_114, %add3A_112 : vector<128x64xf32>
    %tanh3A = math.tanh %mul3A_115 : vector<128x64xf32>
    %mul3A_116 = arith.constant 5.000000e-01 : f32
    %mul3A_117 = vector.broadcast %mul3A_116 : f32 to vector<128x64xf32>
    %mul3A_118 = arith.mulf %mul3A_117, %tanh3A : vector<128x64xf32>
    %add3A_119 = arith.constant 5.000000e-01 : f32
    %add3A_120 = vector.broadcast %add3A_119 : f32 to vector<128x64xf32>
    %add3A_121 = arith.addf %add3A_120, %mul3A_118 : vector<128x64xf32>
    %mul3A_122 = arith.mulf %add3A_112, %add3A_121 : vector<128x64xf32>
    %get3A_123 = arith.constant 0 : index
    %get3A_124 = arith.constant 0 : index
    %get3A_125 = vector.load %arg11[%get3A_123, %get3A_124] : memref<64x64xf32, #tpu.memory_space<vmem>>, vector<64x64xf32>
    %dot_general3A_126 = arith.constant dense<0.000000e+00> : vector<128x64xf32>
    %dot_general3A_127 = tpu.matmul %mul3A_122, %get3A_125, %dot_general3A_126 {dimension_numbers = #tpu.dot_dimension_numbers<[1], [1], [0], [0], [0, 0, 1, 0], [], []>, transpose_lhs_hint = false} : vector<128x64xf32>, vector<64x64xf32>, vector<128x64xf32> -> vector<128x64xf32>
    %add3A_128 = arith.addf %get3A_102, %dot_general3A_127 : vector<128x64xf32>
    %get3A_129 = arith.constant 0 : index
    %get3A_130 = arith.constant 0 : index
    %get3A_131 = vector.load %arg12[%get3A_129, %get3A_130] : memref<1x64xf32, #tpu.memory_space<vmem>>, vector<1x64xf32>
    %add3A_132 = vector.broadcast %get3A_131 : vector<1x64xf32> to vector<128x64xf32>
    %add3A_133 = arith.addf %add3A_128, %add3A_132 : vector<128x64xf32>
    %swap3A = arith.constant 0 : index
    %swap3A_134 = arith.constant 0 : index
    %swap3A_135 = vector.load %arg13[%swap3A, %swap3A_134] : memref<128x64xf32, #tpu.memory_space<vmem>>, vector<128x64xf32>
    tpu.vector_store %arg13[%swap3A, %swap3A_134], %add3A_133 {strides = array<i32>} : memref<128x64xf32, #tpu.memory_space<vmem>>, vector<128x64xf32>,
    return
  }
  func.func @transform_0(%arg0: i32) -> (i32, i32) {
    %c0_i32 = arith.constant 0 : i32
    %c0_i32_0 = arith.constant 0 : i32
    %c0_i32_1 = arith.constant 0 : i32
    return %c0_i32, %c0_i32_0 : i32, i32
  }
  func.func @transform_1(%arg0: i32) -> (i32, i32) {
    %c0_i32 = arith.constant 0 : i32
    %c0_i32_0 = arith.constant 0 : i32
    %c0_i32_1 = arith.constant 0 : i32
    return %c0_i32, %c0_i32_0 : i32, i32
  }
  func.func @transform_2(%arg0: i32) -> (i32, i32) {
    %c0_i32 = arith.constant 0 : i32
    %c0_i32_0 = arith.constant 0 : i32
    %c0_i32_1 = arith.constant 0 : i32
    return %c0_i32, %c0_i32_0 : i32, i32
  }
  func.func @transform_3(%arg0: i32) -> (i32, i32) {
    %c0_i32 = arith.constant 0 : i32
    %c0_i32_0 = arith.constant 0 : i32
    %c0_i32_1 = arith.constant 0 : i32
    return %c0_i32, %c0_i32_0 : i32, i32
  }
  func.func @transform_4(%arg0: i32) -> (i32, i32) {
    %c0_i32 = arith.constant 0 : i32
    %c0_i32_0 = arith.constant 0 : i32
    %c0_i32_1 = arith.constant 0 : i32
    return %c0_i32, %c0_i32_0 : i32, i32
  }
  func.func @transform_5(%arg0: i32) -> (i32, i32) {
    %c0_i32 = arith.constant 0 : i32
    %c0_i32_0 = arith.constant 0 : i32
    %c0_i32_1 = arith.constant 0 : i32
    return %c0_i32, %c0_i32_0 : i32, i32
  }
  func.func @transform_6(%arg0: i32) -> (i32, i32) {
    %c0_i32 = arith.constant 0 : i32
    %c0_i32_0 = arith.constant 0 : i32
    %c0_i32_1 = arith.constant 0 : i32
    return %c0_i32, %c0_i32_0 : i32, i32
  }
  func.func @transform_7(%arg0: i32) -> (i32, i32) {
    %c0_i32 = arith.constant 0 : i32
    %c0_i32_0 = arith.constant 0 : i32
    %c0_i32_1 = arith.constant 0 : i32
    return %c0_i32, %c0_i32_0 : i32, i32
  }
  func.func @transform_8(%arg0: i32) -> (i32, i32) {
    %c0_i32 = arith.constant 0 : i32
    %c0_i32_0 = arith.constant 0 : i32
    %c0_i32_1 = arith.constant 0 : i32
    return %c0_i32, %c0_i32_0 : i32, i32
  }
  func.func @transform_9(%arg0: i32) -> (i32, i32) {
    %c0_i32 = arith.constant 0 : i32
    %c0_i32_0 = arith.constant 0 : i32
    %c0_i32_1 = arith.constant 0 : i32
    return %c0_i32, %c0_i32_0 : i32, i32
  }
  func.func @transform_10(%arg0: i32) -> (i32, i32) {
    %c0_i32 = arith.constant 0 : i32
    %c0_i32_0 = arith.constant 0 : i32
    %c0_i32_1 = arith.constant 0 : i32
    return %c0_i32, %c0_i32_0 : i32, i32
  }
  func.func @transform_11(%arg0: i32) -> (i32, i32) {
    %c0_i32 = arith.constant 0 : i32
    %c0_i32_0 = arith.constant 0 : i32
    %c0_i32_1 = arith.constant 0 : i32
    return %c0_i32, %c0_i32_0 : i32, i32
  }
  func.func @transform_12(%arg0: i32) -> (i32, i32) {
    %c0_i32 = arith.constant 0 : i32
    %c0_i32_0 = arith.constant 0 : i32
    return %arg0, %c0_i32 : i32, i32
  }
}

module attributes {stable_mosaic.version = 14 : i64} {
  func.func @_post_kernel(%arg0: memref<10240x64xf32, #tpu.memory_space<vmem>>, %arg1: memref<1x10240xi32, #tpu.memory_space<vmem>>, %arg2: memref<10240x1xi32, #tpu.memory_space<vmem>>, %arg3: memref<20x64xf32, #tpu.memory_space<vmem>>, %arg4: memref<1x20xf32, #tpu.memory_space<vmem>>, %arg5: memref<32x16xf32, #tpu.memory_space<vmem>>, %arg6: memref<1x32xf32, #tpu.memory_space<vmem>>, %arg7: memref<16x32xf32, #tpu.memory_space<vmem>>, %arg8: memref<1x16xf32, #tpu.memory_space<vmem>>, %arg9: memref<32x16xf32, #tpu.memory_space<vmem>>, %arg10: memref<1x32xf32, #tpu.memory_space<vmem>>, %arg11: memref<16x32xf32, #tpu.memory_space<vmem>>, %arg12: memref<1x16xf32, #tpu.memory_space<vmem>>, %arg13: memref<4000x19xf32, #tpu.memory_space<vmem>>, %arg14: memref<6000x19xf32, #tpu.memory_space<vmem>>) attributes {dimension_semantics = [], scalar_prefetch = 0 : i64, scratch_operands = 0 : i64, tpu.core_type = #tpu.core_type<tc>} {
    %get3A = arith.constant 0 : index
    %get3A_0 = arith.constant 0 : index
    %get3A_1 = vector.load %arg0[%get3A, %get3A_0] : memref<10240x64xf32, #tpu.memory_space<vmem>>, vector<10240x64xf32>
    %get3A_2 = arith.constant 0 : index
    %get3A_3 = arith.constant 0 : index
    %get3A_4 = vector.load %arg3[%get3A_2, %get3A_3] : memref<20x64xf32, #tpu.memory_space<vmem>>, vector<20x64xf32>
    %dot_general3A = arith.constant dense<0.000000e+00> : vector<10240x20xf32>
    %dot_general3A_5 = tpu.matmul %get3A_1, %get3A_4, %dot_general3A {dimension_numbers = #tpu.dot_dimension_numbers<[1], [1], [0], [0], [0, 0, 1, 0], [], []>, transpose_lhs_hint = false} : vector<10240x64xf32>, vector<20x64xf32>, vector<10240x20xf32> -> vector<10240x20xf32>
    %get3A_6 = arith.constant 0 : index
    %get3A_7 = arith.constant 0 : index
    %get3A_8 = vector.load %arg4[%get3A_6, %get3A_7] : memref<1x20xf32, #tpu.memory_space<vmem>>, vector<1x20xf32>
    %add3A = vector.broadcast %get3A_8 : vector<1x20xf32> to vector<10240x20xf32>
    %add3A_9 = arith.addf %dot_general3A_5, %add3A : vector<10240x20xf32>
    %slice3A = vector.extract_strided_slice %add3A_9 {offsets = [0, 0], sizes = [10240, 3], strides = [1, 1]} : vector<10240x20xf32> to vector<10240x3xf32>
    %iota3A = tpu.iota {dimensions = array<i32: 0>} : vector<200x10240xi32>
    %get3A_10 = arith.constant 0 : index
    %get3A_11 = arith.constant 0 : index
    %get3A_12 = vector.load %arg1[%get3A_10, %get3A_11] : memref<1x10240xi32, #tpu.memory_space<vmem>>, vector<1x10240xi32>
    %eq3A = vector.broadcast %get3A_12 : vector<1x10240xi32> to vector<200x10240xi32>
    %eq3A_13 = arith.cmpi eq, %iota3A, %eq3A : vector<200x10240xi32>
    %convert_element_type3A = arith.extui %eq3A_13 : vector<200x10240xi1> to vector<200x10240xi32>
    %convert_element_type3A_14 = arith.sitofp %convert_element_type3A : vector<200x10240xi32> to vector<200x10240xf32>
    %iota3A_15 = tpu.iota {dimensions = array<i32: 1>} : vector<10240x200xi32>
    %get3A_16 = arith.constant 0 : index
    %get3A_17 = arith.constant 0 : index
    %get3A_18 = vector.load %arg2[%get3A_16, %get3A_17] : memref<10240x1xi32, #tpu.memory_space<vmem>>, vector<10240x1xi32>
    %eq3A_19 = vector.broadcast %get3A_18 : vector<10240x1xi32> to vector<10240x200xi32>
    %eq3A_20 = arith.cmpi eq, %iota3A_15, %eq3A_19 : vector<10240x200xi32>
    %convert_element_type3A_21 = arith.extui %eq3A_20 : vector<10240x200xi1> to vector<10240x200xi32>
    %convert_element_type3A_22 = arith.sitofp %convert_element_type3A_21 : vector<10240x200xi32> to vector<10240x200xf32>
    %dot_general3A_23 = arith.constant dense<0.000000e+00> : vector<200x3xf32>
    %dot_general3A_24 = tpu.matmul %convert_element_type3A_14, %slice3A, %dot_general3A_23 {dimension_numbers = #tpu.dot_dimension_numbers<[1], [0], [0], [1], [0, 0, 1, 1], [], []>, transpose_lhs_hint = false} : vector<200x10240xf32>, vector<10240x3xf32>, vector<200x3xf32> -> vector<200x3xf32>
    %reduce_sum3A = arith.constant dense<0.000000e+00> : vector<200xf32>
    %reduce_sum3A_25 = vector.multi_reduction <add>, %convert_element_type3A_14, %reduce_sum3A [1] : vector<200x10240xf32> to vector<200xf32>
    %broadcast_in_dim3A = vector.shape_cast %reduce_sum3A_25 : vector<200xf32> to vector<200x1xf32>
    %max3A = arith.constant 1.000000e+00 : f32
    %max3A_26 = vector.broadcast %max3A : f32 to vector<200x1xf32>
    %max3A_27 = arith.maximumf %broadcast_in_dim3A, %max3A_26 : vector<200x1xf32>
    %div3A = vector.broadcast %max3A_27 : vector<200x1xf32> to vector<200x3xf32>
    %div3A_28 = arith.divf %dot_general3A_24, %div3A : vector<200x3xf32>
    %dot_general3A_29 = arith.constant dense<0.000000e+00> : vector<10240x3xf32>
    %dot_general3A_30 = tpu.matmul %convert_element_type3A_22, %div3A_28, %dot_general3A_29 {dimension_numbers = #tpu.dot_dimension_numbers<[1], [0], [0], [1], [0, 0, 1, 1], [], []>, transpose_lhs_hint = false} : vector<10240x200xf32>, vector<200x3xf32>, vector<10240x3xf32> -> vector<10240x3xf32>
    %sub3A = arith.subf %slice3A, %dot_general3A_30 : vector<10240x3xf32>
    %slice3A_31 = vector.extract_strided_slice %add3A_9 {offsets = [0, 3], sizes = [10240, 16], strides = [1, 1]} : vector<10240x20xf32> to vector<10240x16xf32>
    %slice3A_32 = vector.extract_strided_slice %slice3A_31 {offsets = [0, 0], sizes = [4000, 16], strides = [1, 1]} : vector<10240x16xf32> to vector<4000x16xf32>
    %get3A_33 = arith.constant 0 : index
    %get3A_34 = arith.constant 0 : index
    %get3A_35 = vector.load %arg5[%get3A_33, %get3A_34] : memref<32x16xf32, #tpu.memory_space<vmem>>, vector<32x16xf32>
    %dot_general3A_36 = arith.constant dense<0.000000e+00> : vector<4000x32xf32>
    %dot_general3A_37 = tpu.matmul %slice3A_32, %get3A_35, %dot_general3A_36 {dimension_numbers = #tpu.dot_dimension_numbers<[1], [1], [0], [0], [0, 0, 1, 0], [], []>, transpose_lhs_hint = false} : vector<4000x16xf32>, vector<32x16xf32>, vector<4000x32xf32> -> vector<4000x32xf32>
    %get3A_38 = arith.constant 0 : index
    %get3A_39 = arith.constant 0 : index
    %get3A_40 = vector.load %arg6[%get3A_38, %get3A_39] : memref<1x32xf32, #tpu.memory_space<vmem>>, vector<1x32xf32>
    %add3A_41 = vector.broadcast %get3A_40 : vector<1x32xf32> to vector<4000x32xf32>
    %add3A_42 = arith.addf %dot_general3A_37, %add3A_41 : vector<4000x32xf32>
    %mul3A = arith.constant 5.000000e-01 : f32
    %mul3A_43 = vector.broadcast %mul3A : f32 to vector<4000x32xf32>
    %mul3A_44 = arith.mulf %mul3A_43, %add3A_42 : vector<4000x32xf32>
    %tanh3A = math.tanh %mul3A_44 : vector<4000x32xf32>
    %mul3A_45 = arith.constant 5.000000e-01 : f32
    %mul3A_46 = vector.broadcast %mul3A_45 : f32 to vector<4000x32xf32>
    %mul3A_47 = arith.mulf %mul3A_46, %tanh3A : vector<4000x32xf32>
    %add3A_48 = arith.constant 5.000000e-01 : f32
    %add3A_49 = vector.broadcast %add3A_48 : f32 to vector<4000x32xf32>
    %add3A_50 = arith.addf %add3A_49, %mul3A_47 : vector<4000x32xf32>
    %mul3A_51 = arith.mulf %add3A_42, %add3A_50 : vector<4000x32xf32>
    %get3A_52 = arith.constant 0 : index
    %get3A_53 = arith.constant 0 : index
    %get3A_54 = vector.load %arg7[%get3A_52, %get3A_53] : memref<16x32xf32, #tpu.memory_space<vmem>>, vector<16x32xf32>
    %dot_general3A_55 = arith.constant dense<0.000000e+00> : vector<4000x16xf32>
    %dot_general3A_56 = tpu.matmul %mul3A_51, %get3A_54, %dot_general3A_55 {dimension_numbers = #tpu.dot_dimension_numbers<[1], [1], [0], [0], [0, 0, 1, 0], [], []>, transpose_lhs_hint = false} : vector<4000x32xf32>, vector<16x32xf32>, vector<4000x16xf32> -> vector<4000x16xf32>
    %get3A_57 = arith.constant 0 : index
    %get3A_58 = arith.constant 0 : index
    %get3A_59 = vector.load %arg8[%get3A_57, %get3A_58] : memref<1x16xf32, #tpu.memory_space<vmem>>, vector<1x16xf32>
    %add3A_60 = vector.broadcast %get3A_59 : vector<1x16xf32> to vector<4000x16xf32>
    %add3A_61 = arith.addf %dot_general3A_56, %add3A_60 : vector<4000x16xf32>
    %slice3A_62 = vector.extract_strided_slice %slice3A_31 {offsets = [4096, 0], sizes = [6000, 16], strides = [1, 1]} : vector<10240x16xf32> to vector<6000x16xf32>
    %get3A_63 = arith.constant 0 : index
    %get3A_64 = arith.constant 0 : index
    %get3A_65 = vector.load %arg9[%get3A_63, %get3A_64] : memref<32x16xf32, #tpu.memory_space<vmem>>, vector<32x16xf32>
    %dot_general3A_66 = arith.constant dense<0.000000e+00> : vector<6000x32xf32>
    %dot_general3A_67 = tpu.matmul %slice3A_62, %get3A_65, %dot_general3A_66 {dimension_numbers = #tpu.dot_dimension_numbers<[1], [1], [0], [0], [0, 0, 1, 0], [], []>, transpose_lhs_hint = false} : vector<6000x16xf32>, vector<32x16xf32>, vector<6000x32xf32> -> vector<6000x32xf32>
    %get3A_68 = arith.constant 0 : index
    %get3A_69 = arith.constant 0 : index
    %get3A_70 = vector.load %arg10[%get3A_68, %get3A_69] : memref<1x32xf32, #tpu.memory_space<vmem>>, vector<1x32xf32>
    %add3A_71 = vector.broadcast %get3A_70 : vector<1x32xf32> to vector<6000x32xf32>
    %add3A_72 = arith.addf %dot_general3A_67, %add3A_71 : vector<6000x32xf32>
    %mul3A_73 = arith.constant 5.000000e-01 : f32
    %mul3A_74 = vector.broadcast %mul3A_73 : f32 to vector<6000x32xf32>
    %mul3A_75 = arith.mulf %mul3A_74, %add3A_72 : vector<6000x32xf32>
    %tanh3A_76 = math.tanh %mul3A_75 : vector<6000x32xf32>
    %mul3A_77 = arith.constant 5.000000e-01 : f32
    %mul3A_78 = vector.broadcast %mul3A_77 : f32 to vector<6000x32xf32>
    %mul3A_79 = arith.mulf %mul3A_78, %tanh3A_76 : vector<6000x32xf32>
    %add3A_80 = arith.constant 5.000000e-01 : f32
    %add3A_81 = vector.broadcast %add3A_80 : f32 to vector<6000x32xf32>
    %add3A_82 = arith.addf %add3A_81, %mul3A_79 : vector<6000x32xf32>
    %mul3A_83 = arith.mulf %add3A_72, %add3A_82 : vector<6000x32xf32>
    %get3A_84 = arith.constant 0 : index
    %get3A_85 = arith.constant 0 : index
    %get3A_86 = vector.load %arg11[%get3A_84, %get3A_85] : memref<16x32xf32, #tpu.memory_space<vmem>>, vector<16x32xf32>
    %dot_general3A_87 = arith.constant dense<0.000000e+00> : vector<6000x16xf32>
    %dot_general3A_88 = tpu.matmul %mul3A_83, %get3A_86, %dot_general3A_87 {dimension_numbers = #tpu.dot_dimension_numbers<[1], [1], [0], [0], [0, 0, 1, 0], [], []>, transpose_lhs_hint = false} : vector<6000x32xf32>, vector<16x32xf32>, vector<6000x16xf32> -> vector<6000x16xf32>
    %get3A_89 = arith.constant 0 : index
    %get3A_90 = arith.constant 0 : index
    %get3A_91 = vector.load %arg12[%get3A_89, %get3A_90] : memref<1x16xf32, #tpu.memory_space<vmem>>, vector<1x16xf32>
    %add3A_92 = vector.broadcast %get3A_91 : vector<1x16xf32> to vector<6000x16xf32>
    %add3A_93 = arith.addf %dot_general3A_88, %add3A_92 : vector<6000x16xf32>
    %slice3A_94 = vector.extract_strided_slice %sub3A {offsets = [0, 0], sizes = [4000, 3], strides = [1, 1]} : vector<10240x3xf32> to vector<4000x3xf32>
    %concatenate3A = tpu.concatenate %slice3A_94, %add3A_61 in 1 : vector<4000x3xf32>, vector<4000x16xf32> -> vector<4000x19xf32>
    %swap3A = arith.constant 0 : index
    %swap3A_95 = arith.constant 0 : index
    %swap3A_96 = vector.load %arg13[%swap3A, %swap3A_95] : memref<4000x19xf32, #tpu.memory_space<vmem>>, vector<4000x19xf32>
    tpu.vector_store %arg13[%swap3A, %swap3A_95], %concatenate3A {strides = array<i32>} : memref<4000x19xf32, #tpu.memory_space<vmem>>, vector<4000x19xf32>,
    %slice3A_97 = vector.extract_strided_slice %sub3A {offsets = [4096, 0], sizes = [6000, 3], strides = [1, 1]} : vector<10240x3xf32> to vector<6000x3xf32>
    %concatenate3A_98 = tpu.concatenate %slice3A_97, %add3A_93 in 1 : vector<6000x3xf32>, vector<6000x16xf32> -> vector<6000x19xf32>
    %swap3A_99 = arith.constant 0 : index
    %swap3A_100 = arith.constant 0 : index
    %swap3A_101 = vector.load %arg14[%swap3A_99, %swap3A_100] : memref<6000x19xf32, #tpu.memory_space<vmem>>, vector<6000x19xf32>
    tpu.vector_store %arg14[%swap3A_99, %swap3A_100], %concatenate3A_98 {strides = array<i32>} : memref<6000x19xf32, #tpu.memory_space<vmem>>, vector<6000x19xf32>,
    return
  }
}

</mosaic_0001>

<sc_bundles>
// kernel: gather_offload_async_start.1
scs
__scs_entry_jumppad:
0x0: {  	(pc) =	sbr.rel $0x88, $3  }
0x1: {  	(tag) =	ssettag $0x0;
	lr =	simm.s32 $0x1  }
0x2: {  	[smem:$0x3F77] =	sst lr;
	_ =	strace $0xD0000000  }
0x3: {  	_ = 	snop  }
0x4: {  	_ = 	snop  }
0x5: {  	_ = 	snop  }
0x6: {  	_ = 	snop  }
0x7: {  	_ = 	snop  }
__scs_overlays_trampoline_lowered:
0x8: {  	[smem:$0x3F86] =	sst s0  }
0x9: {  	[smem:$0x3F87] =	sst s1  }
0xa: {  	[smem:$0x3F88] =	sst s2  }
0xb: {  	[smem:$0x3F89] =	sst s3  }
0xc: {  	[smem:$0x3F8A] =	sst s4  }
0xd: {  	[smem:$0x3F8B] =	sst s5  }
0xe: {  	[smem:$0x3F8C] =	sst s6  }
0xf: {  	[smem:$0x3F8D] =	sst s7  }
0x10: {  	[smem:$0x3F8E] =	sst s8  }
0x11: {  	[smem:$0x3F8F] =	sst s9;
	s0 =	simm.s32 @!p0 $0x0  }
0x12: {  	s1 =	sld [smem:$0x3F75];
	s0 =	simm.s32 @p0 $0x1  }
0x13: {  	[smem:$0x3F90] =	sst s0;
	s0 =	simm.s32 @!p1 $0x0  }
0x14: {  	s2 =	sld [smem:$0x3F74];
	s0 =	simm.s32 @p1 $0x1  }
0x15: {  	[smem:$0x3F91] =	sst s0;
	s0 =	simm.s32 @!p2 $0x0  }
0x16: {  	s3 =	sld [smem:$0x3FDB];
	s0 =	simm.s32 @p2 $0x1  }
0x17: {  	s4 =	simm.s32 $0x1BF5;
	[smem:$0x3F93] =	sst s0  }
0x18: {  	s0 =	sld [smem:$0x3F76];
	_ =	swait.ge [sflag:s4], $0x0  }
0x19: {  	s7 =	sld [smem:$0x3F77]  }
0x1a: {  	s8 =	sadd.s32 $0xFFFFE003, lr  }
0x1b: {  	s9 =	sadd.s32 $0xFFFFFEF7, lr;
	s5 =	simm.s32 $0xFFFFFFFF;
	p2 =	slt.u32 s8, $0xFFFFF086  }
0x1c: {  	p1 =	slt.u32 s9, $0xF7A;
	s5 =	simm.s32 @!p2 $0x0  }
0x1d: {  	s5 =	simm.s32 @p1 $0x1;
	p0 =	seq.s32 s7, s2  }
0x1e: {  	s7 =	smul.u32 @!p0 $0xF7A, s2;
	p2 =	seq.s32 @!p0 s5, $0x0  }
0x1f: {  	s9 =	smul.u32 $0xF7A, s1;
	s8 =	simm.s32 @!p0 $0x1BF5;
	p2 =	por !p2, p0  }
0x20: {  	[sflag:s8] =	ssyncset.s32 @!p0 $0xFFFFF086;
	s6 =	sadd.s32 @!p0 s3, s7;
	s7 =	simm.s32 @!p0 $0x108  }
0x21: {  	s3 =	sadd.s32 s3, s9;
	s6 =	sadd.s32 @!p0 $0x88, s6;
	s7 =	simm.s32 @p2 $0x1082  }
0x22: {  	[simem:s7], [sflag:s8] =	dma.local @!p0 [hbm:s6], $0xF7A  }
0x23: {  	s9 =	sor.u32 $0xD0000000, s2;
	s6 =	simm.s32 $0x108;
	_ =	swait.ge @!p0 [sflag:s8], $0x0  }
0x24: {  	s3 =	sadd.s32 $0x88, s3;
	s6 =	simm.s32 @!p1 $0x1082;
	[sflag:s4] =	ssyncset.s32 $0xFFFFF086  }
0x25: {  	[simem:s6], [sflag:s4] =	dma.local [hbm:s3], $0xF7A  }
0x26: {  	[smem:$0x3F77] =	sst s1;
	(tag) =	ssettag s2;
	_ =	strace s9  }
0x27: {  	s1 =	sld [smem:$0x3F87]  }
0x28: {  	s2 =	sld [smem:$0x3F88]  }
0x29: {  	s4 =	sld [smem:$0x3F8A]  }
0x2a: {  	p0 =	seq.s32 s5, $0x0;
	s5 =	sld [smem:$0x3F8B]  }
0x2b: {  	s6 =	sld [smem:$0x3F8C]  }
0x2c: {  	s7 =	sld [smem:$0x3F8D]  }
0x2d: {  	s3 =	simm.s32 $0x108;
	s8 =	sld [smem:$0x3F8E]  }
0x2e: {  	s3 =	simm.s32 @!p0 $0x1082;
	s9 =	sld [smem:$0x3F8F]  }
0x2f: {  	lr =	sadd.s32 s0, s3;
	s0 =	sld [smem:$0x3F86]  }
0x30: {  	s3 =	sld [smem:$0x3F89]  }
0x31: {  	[smem:$0x3F92] =	sst s10  }
0x32: {  	s10 =	sld [smem:$0x3F90];
	_ =	sdelay $0x3  }
0x33: {  	p0 =	seq.s32 s10, $0x1;
	s10 =	sld [smem:$0x3F92];
	_ =	sdelay $0x3  }
0x34: {  	[smem:$0x3F92] =	sst s10  }
0x35: {  	s10 =	sld [smem:$0x3F91];
	_ =	sdelay $0x3  }
0x36: {  	p1 =	seq.s32 s10, $0x1;
	s10 =	sld [smem:$0x3F92];
	_ =	sdelay $0x3  }
0x37: {  	[smem:$0x3F92] =	sst s10  }
0x38: {  	s10 =	sld [smem:$0x3F93]  }
0x39: {  	_ = 	snop;
	(pc) =	sbr.ind lr, $3  }
0x3a: {  	_ = 	snop  }
0x3b: {  	_ = 	snop  }
0x3c: {  	p2 =	seq.s32 s10, $0x1;
	s10 =	sld [smem:$0x3F92]  }
0x3d: {  	_ =	shalt  }
0x3e: {  	_ =	shalt  }
0x3f: {  	_ =	shalt  }
0x40: {  	_ =	shalt  }
0x41: {  	_ =	shalt  }
0x42: {  	_ =	shalt  }
0x43: {  	_ =	shalt  }
0x44: {  	_ =	shalt  }
0x45: {  	_ =	shalt  }
0x46: {  	_ =	shalt  }
0x47: {  	_ =	shalt  }
0x48: {  	_ =	shalt  }
0x49: {  	_ =	shalt  }
0x4a: {  	_ =	shalt  }
0x4b: {  	_ =	shalt  }
0x4c: {  	_ =	shalt  }
0x4d: {  	_ =	shalt  }
0x4e: {  	_ =	shalt  }
0x4f: {  	_ =	shalt  }
0x50: {  	_ =	shalt  }
0x51: {  	_ =	shalt  }
0x52: {  	_ =	shalt  }
0x53: {  	_ =	shalt  }
0x54: {  	_ =	shalt  }
0x55: {  	_ =	shalt  }
0x56: {  	_ =	shalt  }
0x57: {  	_ =	shalt  }
0x58: {  	_ =	shalt  }
0x59: {  	_ =	shalt  }
0x5a: {  	_ =	shalt  }
0x5b: {  	_ =	shalt  }
0x5c: {  	_ =	shalt  }
0x5d: {  	_ =	shalt  }
0x5e: {  	_ =	shalt  }
0x5f: {  	_ =	shalt  }
0x60: {  	_ =	shalt  }
0x61: {  	_ =	shalt  }
0x62: {  	_ =	shalt  }
0x63: {  	_ =	shalt  }
0x64: {  	_ =	shalt  }
0x65: {  	_ =	shalt  }
0x66: {  	_ =	shalt  }
0x67: {  	_ =	shalt  }
0x68: {  	_ =	shalt  }
0x69: {  	_ =	shalt  }
0x6a: {  	_ =	shalt  }
0x6b: {  	_ =	shalt  }
0x6c: {  	_ =	shalt  }
0x6d: {  	_ =	shalt  }
0x6e: {  	_ =	shalt  }
0x6f: {  	_ =	shalt  }
0x70: {  	_ =	shalt  }
0x71: {  	_ =	shalt  }
0x72: {  	_ =	shalt  }
0x73: {  	_ =	shalt  }
0x74: {  	_ =	shalt  }
0x75: {  	_ =	shalt  }
0x76: {  	_ =	shalt  }
0x77: {  	_ =	shalt  }
0x78: {  	_ =	shalt  }
0x79: {  	_ =	shalt  }
0x7a: {  	_ =	shalt  }
0x7b: {  	_ =	shalt  }
0x7c: {  	_ =	shalt  }
0x7d: {  	_ =	shalt  }
0x7e: {  	_ =	shalt  }
0x7f: {  	_ =	shalt  }
0x80: {  	_ =	shalt  }
0x81: {  	_ =	shalt  }
0x82: {  	_ =	shalt  }
0x83: {  	_ =	shalt  }
0x84: {  	_ =	shalt  }
0x85: {  	_ =	shalt  }
0x86: {  	_ =	shalt  }
0x87: {  	_ =	shalt  }
.Lfunc_end0:
.L_simem_size_0:
called_computation.1_lowered:
.L_overlay_start_0:
0x88: {  	s2 =	sld [smem:$0x3FD9]  }
0x89: {  	s3 =	sld [smem:$0x3FFE];
	_ =	sdelay $0x1  }
0x8a: {  	s1 =	srdreg.scid  }
0x8b: {  	s0 =	sand.u32 $0x1, s1  }
0x8c: {  	s14 =	sshll.u32 s0, $0xA;
	s2 =	sadd.s32 s3, s2  }
0x8d: {  	s2 =	sadd.s32 s2, s14  }
0x8e: {  	[smem:$0x3F9E] =	sst s2  }
0x8f: {  	_ = 	snop  }
0x90: {  	s2 =	sld [smem:$0x3FD0];
	_ =	sdelay $0x2  }
0x91: {  	s15 =	simm.s32 $0xA;
	s4 =	simm.s32 $0x10  }
0x92: {  	[smem:s4], [sflag:s15] =	dma.local [hbm:s2], $0x1  }
0x93: {  	_ =	swait.eq [sflag:s15], $0x1  }
0x94: {  	[sflag:s15] =	ssyncset.done $0x0  }
0x95: {  	[sflag:s15] =	ssyncadd.s32 $0xFFFFFFFF  }
0x96: {  	s16 =	sld [smem:$0x11];
	(tm) =	ssettm $0x1  }
0x97: {  	s17 =	sld [smem:$0x3FFB];
	_ =	sdelay $0x3  }
0x98: {  	_ =	strace s17  }
0x99: {  	s3 =	sld [smem:$0x3FFC];
	_ =	sdelay $0x3  }
0x9a: {  	_ =	strace s3  }
0x9b: {  	s3 =	sld [smem:$0x3FFD];
	_ =	sdelay $0x3  }
0x9c: {  	_ =	strace s3  }
0x9d: {  	_ =	strace $0x8FFFFFFF  }
0x9e: {  	s18 =	sld [smem:$0x3FDB];
	_ =	sdelay $0x1  }
0x9f: {  	s19 =	simm.s32 $_scs_section_size  }
0xa0: {  	s5 =	simm.s32 $_size__tile_overlayer_lowered;
	s6 =	simm.s32 $_tile_overlayer_lowered  }
0xa1: {  	s22 =	simm.s32 $0x1BFF;
	s21 =	sshll.u32 s6, $0x1;
	s3 =	sadd.s32 s19, s18  }
0xa2: {  	s7 =	simm.s32 $0x0;
	s20 =	sshll.u32 s5, $0x1;
	s5 =	sadd.s32 s21, s3  }
0xa3: {  	[timem:s7], [sflag:s22] =	dma.local [hbm:s5], s20  }
0xa4: {  	_ =	swait.ge [sflag:s22], s20  }
0xa5: {  	s4 =	ssub.s32 $0x0, s20;
	[sflag:s22] =	ssyncset.done $0x0  }
0xa6: {  	[sflag:s22] =	ssyncadd.s32 s4;
	_ =	sdelay $0x1  }
0xa7: {  	s23 =	simm.s32 $0x1B8B  }
0xa8: {  	_ =	swait.ge [sflag:s23], $0x1  }
0xa9: {  	[sflag:s23] =	ssyncset.done $0x0  }
0xaa: {  	s25 =	simm.s32 $0x1B8E;
	s24 =	sld [smem:$0x3FFE];
	[sflag:s23] =	ssyncadd.s32 $0xFFFFFFFF  }
0xab: {  	s26 =	simm.s32 $execute0_lowered;
	[smem:$0x3FD2] =	sst s25  }
0xac: {  	s5 =	sshll.u32 s26, $0x1;
	_ =	strace $0x80000049;
	[dreg:$0x1] =	wrdreg $0xFFFFFFFF  }
0xad: {  	s28 =	simm.s32 $_size_execute0_lowered;
	s3 =	sadd.s32 s3, s5;
	[dreg:$0x0] =	wrdreg $0x0  }
0xae: {  	s5 =	sshll.u32 s28, $0x1;
	[dreg:$0x2] =	wrdreg s3  }
0xaf: {  	[dreg:$0x3] =	wrdreg s5  }
0xb0: {  	[dreg:$0x4] =	wrdreg $0xC0  }
0xb1: {  	_ =	task [dreg:s7], $0x5FFFF  }
0xb2: {  	[dreg:$0x1] =	wrdreg $0xFFFFFFFF  }
0xb3: {  	[dreg:$0x0] =	wrdreg $0x60  }
0xb4: {  	[dreg:$0x2] =	wrdreg s24  }
0xb5: {  	[dreg:$0x3] =	wrdreg s16  }
0xb6: {  	[dreg:$0x4] =	wrdreg $0x9  }
0xb7: {  	_ =	task.clear_ibuf [dreg:s7], $0x5FFFF;
	_ =	strace $0x90000049  }
0xb8: {  	s29 =	simm.s32 $0x9;
	_ =	strace $0x8000004B  }
0xb9: {  	_ =	swait.ge [sflag:s29], $0x1  }
0xba: {  	[sflag:s29] =	ssyncadd.s32 $0xFFFFFFFF  }
0xbb: {  	_ =	strace $0x9000004B  }
0xbc: {  	_ =	sfence  }
0xbd: {  	s30 =	sld [smem:$0x0];
	_ =	sdelay $0x2  }
0xbe: {  	s31 =	sshll.u32 s1, $0xD;
	s1 =	sshrl.u32 s1, $0x2  }
0xbf: {  	s3 =	sand.u32 $0x4000, s31;
	s1 =	sadd.s32 s1, s30  }
0xc0: {  	s0 =	sor.u32 s3, s0;
	s1 =	sshll.u32 s1, $0x11  }
0xc1: {  	s0 =	sor.u32 s1, s0  }
0xc2: {  	s0 =	sadd.s32 $0x8F2B, s0  }
0xc3: {  	[sflag:s0] =	ssyncadd.remote.s32 $0x1  }
0xc4: {  	_ =	sfence.sel $0xFFFF  }
0xc5: {  	[dreg:$0x0] =	wrdreg $0xFFFFFFFF;
	(pc) =	sbr.abs _section_cstart, $3  }
0xc6: {  	[dreg:$0x1] =	wrdreg $0xFFFFFFFF  }
0xc7: {  	_ =	task.clear_ibuf [dreg:s7], $0x2FFFF;
	_ =	strace $0x9FFFFFFF  }
0xc8: {  	(tm) =	ssettm $0x7FFFFFFF  }
0xc9: {  	_ =	shalt  }
tec
execute0_lowered:
.L_overlay_start_1:
0x0: {  	(tag) =	ssettag $0x1  }
0x1: {  	s0 =	srdreg.scid  }
0x2: {  	s1 =	sshll.u32 s0, $0x4  }
0x3: {  	s0 =	stileid.u32;
	s1 =	sand.u32 $0x10, s1  }
0x4: {  	s9 =	rddreg [dreg:$0x0];
	s1 =	sor.u32 s0, s1  }
0x5: {  	s3 =	rddreg [dreg:$0x1];
	s2 =	smin.u32 s1, $0x8  }
0x6: {  	p0 =	slt.u32 s1, $0x8;
	s2 =	sadd.s32 s1, s2;
	s1 =	simm.s32 $0x200  }
0x7: {  	s6 =	simm.s32 $0x1;
	s2 =	sshll.u32 s2, $0x8;
	s1 =	simm.s32 @!p0 $0x100  }
0x8: {  	s7 =	simm.s32 $0x2;
	s10 =	simm.s32 $0x3;
	s4 =	sadd.s32 s1, s2  }
0x9: {  	s13 =	simm.s32 $0x0;
	s12 =	simm.s32 $0x0;
	s4 =	smin.u32 s4, $0x2800  }
.Ltmp0:
0xa: {  	s5 =	sadd.s32 $0x3800, s9;
	s8 =	ssub.s32 s4, s2;
	(pc) =	sbr.rel .LBB2_1-.Ltmp0, $4  }
0xb: {  	s1 =	rddreg [dreg:$0x2];
	_ =	strace $0x8000004A;
	p0 =	sgt.s32 s8, $0x0  }
0xc: {  	s9 =	sadd.s32 $0x2B800, s9;
	[sflag:s6] =	ssyncpa.u1 $0x0;
	s8 =	simm.s32 @!p0 $0x0  }
0xd: {  	s11 =	smov.u32 s2;
	[sflag:s7] =	ssyncpa.u1 $0x0;
	s8 =	sshrl.u32 s8, $0x8  }
0xe: {  	vm0 =	vmmov $0xff;
	vm1 =	vcmask $0x3F20;
	[sflag:s10] =	ssyncpa.u1 $0x0;
	p0 =	por $0x0, $0x0;
	s10 =	sadd.s32 $0x1, s8  }
.LBB2_6:
0xf: {  	[hbm:s17] =	stream.linear.scatter [tilespmem:s14], [sflag:$0x3], $0x400, $0x38;
	[tilespmem:$0x10200] =	vst v63  }
.LBB2_7:
0x10: {  	s13 =	sadd.s32 $0x100, s11  }
0x11: {  	s15 =	smov.u32 s2;
	p2 =	slt.s32 s13, s4  }
0x12: {  	s15 =	smov.u32 @p2 s13;
	p2 =	sne.s32 s12, s10  }
.Ltmp1:
0x13: {  	p1 =	slt.u32 s12, $0x2;
	(pc) =	sbr.rel @!p2 .LBB2_8-.Ltmp1, $4  }
0x14: {  	s14 =	simm.s32 @!p1 $0x3  }
0x15: {  	s16 =	sadd.s32 $0x1, s12;
	_ =	swait.ge @!p1 [sflag:s14], $0x8000  }
0x16: {  	p0 =	por !p0, !p0;
	s13 =	smov.u32 s11;
	[sflag:s14] =	ssyncset.done @!p1 $0x0  }
0x17: {  	s12 =	smov.u32 s16;
	s11 =	smov.u32 s15;
	[sflag:s14] =	ssyncadd.s32 @!p1 $0xFFFF8000  }
.LBB2_1:
0x18: {  	p1 =	sge.u32 s12, s8  }
0x19: {  	s14 =	sxor.u32 @!p1 $0xFFFFFFFF, s12  }
0x1a: {  	s31 =	sadd.s32 $0xFFFFFFFF, s12;
	s15 =	sshrl.u32 @!p1 s11, $0x3;
	s14 =	sshll.u32 @!p1 s14, $0x8  }
0x1b: {  	s16 =	sand.u32 @!p1 $0x7, s11;
	s15 =	sadd.s32 @!p1 s3, s15;
	s14 =	sand.u32 @!p1 $0x100, s14  }
0x1c: {  	[tilespmem:s14], [sflag:$0x2] =	stream.linear.gather @!p1 [hbm4b:s15+s16], $0x100, $0x38;
	[tilespmem:$0x10200] =	vst v63  }
0x1d: {  	p1 =	sge.u32 s31, s8  }
.Ltmp2:
0x1e: {  	_ = 	snop;
	(pc) =	sbr.rel @p1 .LBB2_7-.Ltmp2, $1  }
0x1f: {  	_ =	sdelay $0x3  }
0x20: {  	s14 =	simm.s32 $0x1  }
0x21: {  	_ =	swait.ge [sflag:s7], $0x100;
	s14 =	simm.s32 @!p0 $0x0  }
0x22: {  	[sflag:s7] =	ssyncset.done $0x0;
	s16 =	sshll.u32 s14, $0x8  }
0x23: {  	[sflag:s7] =	ssyncadd.s32 $0xFFFFFF00;
	s15 =	sadd.s32 $0x0, s16  }
0x24: {  	v0 =	vld.msk [tilespmem:s15+$0x0 ss:$0x1], $0xffff;
	_ =	sdelay $0x4  }
0x25: {  	vm2 =	vgt.s32 v0, $0x0  }
0x26: {  	v0 =	vnsel vm2, $0x0, v0  }
0x27: {  	v0 =	vmin.u32 v0, $0x27FF  }
0x28: {  	v0 =	vshll.u32 v0, $0x4;
	_ =	sdelay $0x2  }
0x29: {  	s14 =	sshll.u32 s14, $0xF  }
0x2a: {  	s14 =	sor.u32 $0x200, s14  }
0x2b: {  	[tilespmem:s14], [sflag:$0x1] =	stream.indirect_vreg.gather [hbm:s5], $0x80, v0, vm0, $0x38;
	[tilespmem:$0x10200] =	vst v63  }
0x2c: {  	s17 =	sadd.s32 $0x10, s16;
	s15 =	sadd.s32 $0x400, s14  }
0x2d: {  	[tilespmem:s15], [sflag:$0x1] =	stream.indirect_vreg.gather [hbm:s5], $0x80, v0, vm1, $0x38;
	[tilespmem:$0x10200] =	vst v63  }
0x2e: {  	s18 =	simm.s32 $0x80;
	v0 =	vld.msk [tilespmem:s17+$0x0 ss:$0x1], $0xffff;
	s17 =	smov.u32 s14  }
.LBB2_3:
0x2f: {  	p1 =	sne.s32 s18, $0x3C0;
	_ =	sdelay $0x4  }
0x30: {  	vm2 =	vgt.s32 v0, $0x0  }
0x31: {  	v0 =	vnsel vm2, $0x0, v0  }
0x32: {  	v0 =	vmin.u32 v0, $0x27FF  }
0x33: {  	v0 =	vshll.u32 v0, $0x4;
	_ =	sdelay $0x3  }
.Ltmp3:
0x34: {  	s19 =	sshra.s32 s18, $0x2;
	s17 =	sadd.s32 $0x800, s17;
	(pc) =	sbr.rel @p1 .LBB2_3-.Ltmp3, $4  }
0x35: {  	[tilespmem:s17], [sflag:$0x1] =	stream.indirect_vreg.gather [hbm:s5], $0x80, v0, vm0, $0x38;
	[tilespmem:$0x10200] =	vst v63  }
0x36: {  	s19 =	sadd.s32 s19, s16;
	s20 =	sadd.s32 $0x400, s17  }
0x37: {  	[tilespmem:s20], [sflag:$0x1] =	stream.indirect_vreg.gather [hbm:s5], $0x80, v0, vm1, $0x38;
	[tilespmem:$0x10200] =	vst v63  }
0x38: {  	s18 =	sadd.s32 $0x40, s18;
	v0 =	vld.msk [tilespmem:s19+$0x0 ss:$0x1], $0xffff  }
0x39: {  	_ =	sdelay $0x3  }
0x3a: {  	vm2 =	vgt.s32 v0, $0x0  }
0x3b: {  	v0 =	vnsel vm2, $0x0, v0  }
0x3c: {  	v0 =	vmin.u32 v0, $0x27FF  }
0x3d: {  	v0 =	vshll.u32 v0, $0x4;
	_ =	sdelay $0x3  }
0x3e: {  	s16 =	sadd.s32 $0x800, s17  }
0x3f: {  	[tilespmem:s16], [sflag:$0x1] =	stream.indirect_vreg.gather [hbm:s5], $0x80, v0, vm0, $0x38;
	[tilespmem:$0x10200] =	vst v63  }
0x40: {  	s16 =	sadd.s32 $0x400, s16  }
0x41: {  	[tilespmem:s16], [sflag:$0x1] =	stream.indirect_vreg.gather [hbm:s5], $0x80, v0, vm1, $0x38;
	[tilespmem:$0x10200] =	vst v63  }
0x42: {  	s13 =	sshll.u32 s13, $0x4;
	_ =	swait.ge [sflag:s6], $0x8000  }
0x43: {  	s13 =	sadd.s32 s13, s9;
	[sflag:s6] =	ssyncset.done $0x0  }
0x44: {  	s17 =	sadd.s32 $0x0, s13;
	s16 =	simm.s32 $0x80;
	[sflag:s6] =	ssyncadd.s32 $0xFFFF8000  }
.LBB2_5:
0x45: {  	[hbm:s17] =	stream.linear.scatter [tilespmem:s14], [sflag:$0x3], $0x400, $0x38;
	[tilespmem:$0x10200] =	vst v63  }
0x46: {  	s17 =	smov.u32 s16;
	s14 =	smov.u32 s15;
	p1 =	sne.s32 s16, $0xF80  }
.Ltmp4:
0x47: {  	s16 =	sadd.s32 $0x80, s16;
	(pc) =	sbr.rel @p1 .LBB2_5-.Ltmp4, $2  }
0x48: {  	_ =	sdelay $0x2  }
0x49: {  	s15 =	sadd.s32 $0x400, s15;
	s17 =	sadd.s32 s17, s13  }
.Ltmp5:
0x4a: {  	_ = 	snop;
	(pc) =	sbr.rel .LBB2_6-.Ltmp5, $1  }
0x4b: {  	_ =	sdelay $0x3  }
.LBB2_8:
0x4c: {  	_ =	sfence.sel $0x180000  }
0x4d: {  	s2 =	simm.s32 $0x2;
	[bflag:$0x0] =	sbarrier.arrive $0xFFFF  }
0x4e: {  	s30 =	simm.s32 $0x3;
	[sflag:s2] =	ssyncpa.u1 $0x1  }
0x4f: {  	s31 =	simm.s32 $0x1;
	[sflag:s30] =	ssyncpa.u1 $0x1  }
0x50: {  	[sflag:s31] =	ssyncpa.u1 $0x1  }
0x51: {  	p0 =	sne.s32 s0, $0x0;
	_ =	strace $0x9000004A  }
0x52: {  	s0 =	sadd.s32 @!p0 $0x100000, s1;
	[bflag:$0x2] =	sbarrier.arrive $0xFFFF  }
0x53: {  	[sflag:s0] =	ssyncadd.tile.s32 @!p0 $0x1;
	_ =	shalt  }
.Lfunc_end2:
_tile_overlayer_lowered:
.L_overlay_start_2:
0x54: {  	(tag) =	ssettag $0x2  }
0x55: {  	s0 =	rddreg [dreg:$0x0];
	s2 =	stileid.u32  }
0x56: {  	s1 =	rddreg [dreg:$0x1];
	p0 =	sne.s32 s2, $0x0  }
0x57: {  	s3 =	rddreg [dreg:$0x2];
	[bflag:$0x3] =	sbarrier.arrive $0xFFFF;
	s2 =	simm.s32 @!p0 $0x1C01  }
0x58: {  	[timem:s3], [sflag:s2] =	dma.local @!p0 [hbm:s0], s1  }
0x59: {  	s0 =	simm.s32 @!p0 $0x1  }
0x5a: {  	_ =	swait.ge @!p0 [sflag:s0], s1  }
0x5b: {  	s1 =	ssub.s32 @!p0 $0x0, s1;
	[sflag:s0] =	ssyncset.done @!p0 $0x0  }
0x5c: {  	[sflag:s0] =	ssyncadd.s32 @!p0 s1  }
0x5d: {  	[bflag:$0x3] =	sbarrier.arrive $0xFFFF  }
0x5e: {  	_ =	shalt  }

// kernel: gather_offload_async_start.2
scs
__scs_entry_jumppad:
0x0: {  	(pc) =	sbr.rel $0x88, $3  }
0x1: {  	(tag) =	ssettag $0x0;
	lr =	simm.s32 $0x1  }
0x2: {  	[smem:$0x3F77] =	sst lr;
	_ =	strace $0xD0000000  }
0x3: {  	_ = 	snop  }
0x4: {  	_ = 	snop  }
0x5: {  	_ = 	snop  }
0x6: {  	_ = 	snop  }
0x7: {  	_ = 	snop  }
__scs_overlays_trampoline_lowered:
0x8: {  	[smem:$0x3F86] =	sst s0  }
0x9: {  	[smem:$0x3F87] =	sst s1  }
0xa: {  	[smem:$0x3F88] =	sst s2  }
0xb: {  	[smem:$0x3F89] =	sst s3  }
0xc: {  	[smem:$0x3F8A] =	sst s4  }
0xd: {  	[smem:$0x3F8B] =	sst s5  }
0xe: {  	[smem:$0x3F8C] =	sst s6  }
0xf: {  	[smem:$0x3F8D] =	sst s7  }
0x10: {  	[smem:$0x3F8E] =	sst s8  }
0x11: {  	[smem:$0x3F8F] =	sst s9;
	s0 =	simm.s32 @!p0 $0x0  }
0x12: {  	s1 =	sld [smem:$0x3F75];
	s0 =	simm.s32 @p0 $0x1  }
0x13: {  	[smem:$0x3F90] =	sst s0;
	s0 =	simm.s32 @!p1 $0x0  }
0x14: {  	s2 =	sld [smem:$0x3F74];
	s0 =	simm.s32 @p1 $0x1  }
0x15: {  	[smem:$0x3F91] =	sst s0;
	s0 =	simm.s32 @!p2 $0x0  }
0x16: {  	s3 =	sld [smem:$0x3FDB];
	s0 =	simm.s32 @p2 $0x1  }
0x17: {  	s4 =	simm.s32 $0x1BF5;
	[smem:$0x3F93] =	sst s0  }
0x18: {  	s0 =	sld [smem:$0x3F76];
	_ =	swait.ge [sflag:s4], $0x0  }
0x19: {  	s7 =	sld [smem:$0x3F77]  }
0x1a: {  	s8 =	sadd.s32 $0xFFFFE003, lr  }
0x1b: {  	s9 =	sadd.s32 $0xFFFFFEF7, lr;
	s5 =	simm.s32 $0xFFFFFFFF;
	p2 =	slt.u32 s8, $0xFFFFF086  }
0x1c: {  	p1 =	slt.u32 s9, $0xF7A;
	s5 =	simm.s32 @!p2 $0x0  }
0x1d: {  	s5 =	simm.s32 @p1 $0x1;
	p0 =	seq.s32 s7, s2  }
0x1e: {  	s7 =	smul.u32 @!p0 $0xF7A, s2;
	p2 =	seq.s32 @!p0 s5, $0x0  }
0x1f: {  	s9 =	smul.u32 $0xF7A, s1;
	s8 =	simm.s32 @!p0 $0x1BF5;
	p2 =	por !p2, p0  }
0x20: {  	[sflag:s8] =	ssyncset.s32 @!p0 $0xFFFFF086;
	s6 =	sadd.s32 @!p0 s3, s7;
	s7 =	simm.s32 @!p0 $0x108  }
0x21: {  	s3 =	sadd.s32 s3, s9;
	s6 =	sadd.s32 @!p0 $0x88, s6;
	s7 =	simm.s32 @p2 $0x1082  }
0x22: {  	[simem:s7], [sflag:s8] =	dma.local @!p0 [hbm:s6], $0xF7A  }
0x23: {  	s9 =	sor.u32 $0xD0000000, s2;
	s6 =	simm.s32 $0x108;
	_ =	swait.ge @!p0 [sflag:s8], $0x0  }
0x24: {  	s3 =	sadd.s32 $0x88, s3;
	s6 =	simm.s32 @!p1 $0x1082;
	[sflag:s4] =	ssyncset.s32 $0xFFFFF086  }
0x25: {  	[simem:s6], [sflag:s4] =	dma.local [hbm:s3], $0xF7A  }
0x26: {  	[smem:$0x3F77] =	sst s1;
	(tag) =	ssettag s2;
	_ =	strace s9  }
0x27: {  	s1 =	sld [smem:$0x3F87]  }
0x28: {  	s2 =	sld [smem:$0x3F88]  }
0x29: {  	s4 =	sld [smem:$0x3F8A]  }
0x2a: {  	p0 =	seq.s32 s5, $0x0;
	s5 =	sld [smem:$0x3F8B]  }
0x2b: {  	s6 =	sld [smem:$0x3F8C]  }
0x2c: {  	s7 =	sld [smem:$0x3F8D]  }
0x2d: {  	s3 =	simm.s32 $0x108;
	s8 =	sld [smem:$0x3F8E]  }
0x2e: {  	s3 =	simm.s32 @!p0 $0x1082;
	s9 =	sld [smem:$0x3F8F]  }
0x2f: {  	lr =	sadd.s32 s0, s3;
	s0 =	sld [smem:$0x3F86]  }
0x30: {  	s3 =	sld [smem:$0x3F89]  }
0x31: {  	[smem:$0x3F92] =	sst s10  }
0x32: {  	s10 =	sld [smem:$0x3F90];
	_ =	sdelay $0x3  }
0x33: {  	p0 =	seq.s32 s10, $0x1;
	s10 =	sld [smem:$0x3F92];
	_ =	sdelay $0x3  }
0x34: {  	[smem:$0x3F92] =	sst s10  }
0x35: {  	s10 =	sld [smem:$0x3F91];
	_ =	sdelay $0x3  }
0x36: {  	p1 =	seq.s32 s10, $0x1;
	s10 =	sld [smem:$0x3F92];
	_ =	sdelay $0x3  }
0x37: {  	[smem:$0x3F92] =	sst s10  }
0x38: {  	s10 =	sld [smem:$0x3F93]  }
0x39: {  	_ = 	snop;
	(pc) =	sbr.ind lr, $3  }
0x3a: {  	_ = 	snop  }
0x3b: {  	_ = 	snop  }
0x3c: {  	p2 =	seq.s32 s10, $0x1;
	s10 =	sld [smem:$0x3F92]  }
0x3d: {  	_ =	shalt  }
0x3e: {  	_ =	shalt  }
0x3f: {  	_ =	shalt  }
0x40: {  	_ =	shalt  }
0x41: {  	_ =	shalt  }
0x42: {  	_ =	shalt  }
0x43: {  	_ =	shalt  }
0x44: {  	_ =	shalt  }
0x45: {  	_ =	shalt  }
0x46: {  	_ =	shalt  }
0x47: {  	_ =	shalt  }
0x48: {  	_ =	shalt  }
0x49: {  	_ =	shalt  }
0x4a: {  	_ =	shalt  }
0x4b: {  	_ =	shalt  }
0x4c: {  	_ =	shalt  }
0x4d: {  	_ =	shalt  }
0x4e: {  	_ =	shalt  }
0x4f: {  	_ =	shalt  }
0x50: {  	_ =	shalt  }
0x51: {  	_ =	shalt  }
0x52: {  	_ =	shalt  }
0x53: {  	_ =	shalt  }
0x54: {  	_ =	shalt  }
0x55: {  	_ =	shalt  }
0x56: {  	_ =	shalt  }
0x57: {  	_ =	shalt  }
0x58: {  	_ =	shalt  }
0x59: {  	_ =	shalt  }
0x5a: {  	_ =	shalt  }
0x5b: {  	_ =	shalt  }
0x5c: {  	_ =	shalt  }
0x5d: {  	_ =	shalt  }
0x5e: {  	_ =	shalt  }
0x5f: {  	_ =	shalt  }
0x60: {  	_ =	shalt  }
0x61: {  	_ =	shalt  }
0x62: {  	_ =	shalt  }
0x63: {  	_ =	shalt  }
0x64: {  	_ =	shalt  }
0x65: {  	_ =	shalt  }
0x66: {  	_ =	shalt  }
0x67: {  	_ =	shalt  }
0x68: {  	_ =	shalt  }
0x69: {  	_ =	shalt  }
0x6a: {  	_ =	shalt  }
0x6b: {  	_ =	shalt  }
0x6c: {  	_ =	shalt  }
0x6d: {  	_ =	shalt  }
0x6e: {  	_ =	shalt  }
0x6f: {  	_ =	shalt  }
0x70: {  	_ =	shalt  }
0x71: {  	_ =	shalt  }
0x72: {  	_ =	shalt  }
0x73: {  	_ =	shalt  }
0x74: {  	_ =	shalt  }
0x75: {  	_ =	shalt  }
0x76: {  	_ =	shalt  }
0x77: {  	_ =	shalt  }
0x78: {  	_ =	shalt  }
0x79: {  	_ =	shalt  }
0x7a: {  	_ =	shalt  }
0x7b: {  	_ =	shalt  }
0x7c: {  	_ =	shalt  }
0x7d: {  	_ =	shalt  }
0x7e: {  	_ =	shalt  }
0x7f: {  	_ =	shalt  }
0x80: {  	_ =	shalt  }
0x81: {  	_ =	shalt  }
0x82: {  	_ =	shalt  }
0x83: {  	_ =	shalt  }
0x84: {  	_ =	shalt  }
0x85: {  	_ =	shalt  }
0x86: {  	_ =	shalt  }
0x87: {  	_ =	shalt  }
.Lfunc_end0:
.L_simem_size_0:
called_computation.2_lowered:
.L_overlay_start_0:
0x88: {  	s2 =	sld [smem:$0x3FD9]  }
0x89: {  	s3 =	sld [smem:$0x3FFE];
	_ =	sdelay $0x1  }
0x8a: {  	s1 =	srdreg.scid  }
0x8b: {  	s0 =	sand.u32 $0x1, s1  }
0x8c: {  	s16 =	sshll.u32 s0, $0xA;
	s2 =	sadd.s32 s3, s2  }
0x8d: {  	s2 =	sadd.s32 s2, s16  }
0x8e: {  	[smem:$0x3F9E] =	sst s2  }
0x8f: {  	_ = 	snop  }
0x90: {  	(tm) =	ssettm $0x1  }
0x91: {  	s17 =	sld [smem:$0x3FFB];
	_ =	sdelay $0x3  }
0x92: {  	_ =	strace s17  }
0x93: {  	s2 =	sld [smem:$0x3FFC];
	_ =	sdelay $0x3  }
0x94: {  	_ =	strace s2  }
0x95: {  	s2 =	sld [smem:$0x3FFD];
	_ =	sdelay $0x3  }
0x96: {  	_ =	strace s2  }
0x97: {  	_ =	strace $0x8FFFFFFF  }
0x98: {  	s18 =	sld [smem:$0x3FDB];
	_ =	sdelay $0x1  }
0x99: {  	s19 =	simm.s32 $_scs_section_size  }
0x9a: {  	s4 =	simm.s32 $_size__tile_overlayer_lowered;
	s5 =	simm.s32 $_tile_overlayer_lowered  }
0x9b: {  	s22 =	simm.s32 $0x1BFF;
	s21 =	sshll.u32 s5, $0x1;
	s2 =	sadd.s32 s19, s18  }
0x9c: {  	s6 =	simm.s32 $0x0;
	s20 =	sshll.u32 s4, $0x1;
	s4 =	sadd.s32 s21, s2  }
0x9d: {  	[timem:s6], [sflag:s22] =	dma.local [hbm:s4], s20  }
0x9e: {  	_ =	swait.ge [sflag:s22], s20  }
0x9f: {  	s3 =	ssub.s32 $0x0, s20;
	[sflag:s22] =	ssyncset.done $0x0  }
0xa0: {  	[sflag:s22] =	ssyncadd.s32 s3;
	_ =	sdelay $0x1  }
0xa1: {  	s23 =	simm.s32 $0x1B8B  }
0xa2: {  	_ =	swait.ge [sflag:s23], $0x1  }
0xa3: {  	[sflag:s23] =	ssyncset.done $0x0  }
0xa4: {  	s25 =	simm.s32 $0x1B8E;
	s24 =	sld [smem:$0x3FFE];
	[sflag:s23] =	ssyncadd.s32 $0xFFFFFFFF  }
0xa5: {  	s26 =	simm.s32 $execute0_lowered;
	[smem:$0x3FD2] =	sst s25  }
0xa6: {  	s4 =	sshll.u32 s26, $0x1;
	_ =	strace $0x8000004C;
	[dreg:$0x1] =	wrdreg $0xFFFFFFFF  }
0xa7: {  	s28 =	simm.s32 $_size_execute0_lowered;
	s2 =	sadd.s32 s2, s4;
	[dreg:$0x0] =	wrdreg $0x0  }
0xa8: {  	s4 =	sshll.u32 s28, $0x1;
	[dreg:$0x2] =	wrdreg s2  }
0xa9: {  	[dreg:$0x3] =	wrdreg s4  }
0xaa: {  	[dreg:$0x4] =	wrdreg $0xC0  }
0xab: {  	_ =	task [dreg:s6], $0x5FFFF  }
0xac: {  	[dreg:$0x1] =	wrdreg $0xFFFFFFFF  }
0xad: {  	[dreg:$0x0] =	wrdreg $0x60  }
0xae: {  	[dreg:$0x2] =	wrdreg s24  }
0xaf: {  	[dreg:$0x3] =	wrdreg $0x9  }
0xb0: {  	_ =	task.clear_ibuf [dreg:s6], $0x4FFFF;
	_ =	strace $0x9000004C  }
0xb1: {  	s29 =	simm.s32 $0x9;
	_ =	strace $0x8000004E  }
0xb2: {  	_ =	swait.ge [sflag:s29], $0x1  }
0xb3: {  	[sflag:s29] =	ssyncadd.s32 $0xFFFFFFFF  }
0xb4: {  	_ =	strace $0x9000004E  }
0xb5: {  	_ =	sfence  }
0xb6: {  	s30 =	sld [smem:$0x0];
	_ =	sdelay $0x2  }
0xb7: {  	s31 =	sshll.u32 s1, $0xD;
	s1 =	sshrl.u32 s1, $0x2  }
0xb8: {  	s3 =	sand.u32 $0x4000, s31;
	s1 =	sadd.s32 s1, s30  }
0xb9: {  	s0 =	sor.u32 s3, s0;
	s1 =	sshll.u32 s1, $0x11  }
0xba: {  	s0 =	sor.u32 s1, s0  }
0xbb: {  	s0 =	sadd.s32 $0x8F2B, s0  }
0xbc: {  	[sflag:s0] =	ssyncadd.remote.s32 $0x1  }
0xbd: {  	_ =	sfence.sel $0xFFFF  }
0xbe: {  	[dreg:$0x0] =	wrdreg $0xFFFFFFFF;
	(pc) =	sbr.abs _section_cstart, $3  }
0xbf: {  	[dreg:$0x1] =	wrdreg $0xFFFFFFFF  }
0xc0: {  	_ =	task.clear_ibuf [dreg:s6], $0x2FFFF;
	_ =	strace $0x9FFFFFFF  }
0xc1: {  	(tm) =	ssettm $0x7FFFFFFF  }
tec
execute0_lowered:
.L_overlay_start_1:
0x0: {  	(tag) =	ssettag $0x1  }
0x1: {  	s0 =	srdreg.scid  }
0x2: {  	s1 =	sshll.u32 s0, $0x4  }
0x3: {  	s0 =	stileid.u32;
	s1 =	sand.u32 $0x10, s1  }
0x4: {  	s1 =	sor.u32 s0, s1  }
0x5: {  	s9 =	rddreg [dreg:$0x0];
	s6 =	simm.s32 $0x1;
	s2 =	smin.u32 s1, $0x8  }
0x6: {  	p0 =	slt.u32 s1, $0x8;
	s2 =	sadd.s32 s1, s2;
	s1 =	simm.s32 $0x200  }
0x7: {  	s7 =	simm.s32 $0x2;
	s2 =	sshll.u32 s2, $0x8;
	s1 =	simm.s32 @!p0 $0x100  }
0x8: {  	s10 =	simm.s32 $0x3;
	s13 =	simm.s32 $0x0;
	s3 =	sadd.s32 s1, s2  }
0x9: {  	s12 =	simm.s32 $0x0;
	s4 =	sadd.s32 $0x3200, s9;
	s3 =	smin.u32 s3, $0x2800  }
.Ltmp0:
0xa: {  	s5 =	sadd.s32 $0x2C00, s9;
	s8 =	ssub.s32 s3, s2;
	(pc) =	sbr.rel .LBB2_1-.Ltmp0, $4  }
0xb: {  	s1 =	rddreg [dreg:$0x1];
	_ =	strace $0x8000004D;
	p0 =	sgt.s32 s8, $0x0  }
0xc: {  	s9 =	sadd.s32 $0x2B200, s9;
	[sflag:s6] =	ssyncpa.u1 $0x0;
	s8 =	simm.s32 @!p0 $0x0  }
0xd: {  	s11 =	smov.u32 s2;
	[sflag:s7] =	ssyncpa.u1 $0x0;
	s8 =	sshrl.u32 s8, $0x8  }
0xe: {  	vm0 =	vmmov $0xff;
	vm1 =	vcmask $0x3F20;
	[sflag:s10] =	ssyncpa.u1 $0x0;
	p0 =	por $0x0, $0x0;
	s10 =	sadd.s32 $0x1, s8  }
.LBB2_6:
0xf: {  	[hbm:s17] =	stream.linear.scatter [tilespmem:s14], [sflag:$0x3], $0x400, $0x38;
	[tilespmem:$0x10200] =	vst v63  }
.LBB2_7:
0x10: {  	s13 =	sadd.s32 $0x100, s11  }
0x11: {  	s15 =	smov.u32 s2;
	p2 =	slt.s32 s13, s3  }
0x12: {  	s15 =	smov.u32 @p2 s13;
	p2 =	sne.s32 s12, s10  }
.Ltmp1:
0x13: {  	p1 =	slt.u32 s12, $0x2;
	(pc) =	sbr.rel @!p2 .LBB2_8-.Ltmp1, $4  }
0x14: {  	s14 =	simm.s32 @!p1 $0x3  }
0x15: {  	s16 =	sadd.s32 $0x1, s12;
	_ =	swait.ge @!p1 [sflag:s14], $0x8000  }
0x16: {  	p0 =	por !p0, !p0;
	s13 =	smov.u32 s11;
	[sflag:s14] =	ssyncset.done @!p1 $0x0  }
0x17: {  	s12 =	smov.u32 s16;
	s11 =	smov.u32 s15;
	[sflag:s14] =	ssyncadd.s32 @!p1 $0xFFFF8000  }
.LBB2_1:
0x18: {  	p1 =	sge.u32 s12, s8  }
0x19: {  	s14 =	sxor.u32 @!p1 $0xFFFFFFFF, s12  }
0x1a: {  	s31 =	sadd.s32 $0xFFFFFFFF, s12;
	s15 =	sshrl.u32 @!p1 s11, $0x3;
	s14 =	sshll.u32 @!p1 s14, $0x8  }
0x1b: {  	s16 =	sand.u32 @!p1 $0x7, s11;
	s15 =	sadd.s32 @!p1 s5, s15;
	s14 =	sand.u32 @!p1 $0x100, s14  }
0x1c: {  	[tilespmem:s14], [sflag:$0x2] =	stream.linear.gather @!p1 [hbm4b:s15+s16], $0x100, $0x38;
	[tilespmem:$0x10200] =	vst v63  }
0x1d: {  	p1 =	sge.u32 s31, s8  }
.Ltmp2:
0x1e: {  	_ = 	snop;
	(pc) =	sbr.rel @p1 .LBB2_7-.Ltmp2, $1  }
0x1f: {  	_ =	sdelay $0x3  }
0x20: {  	s14 =	simm.s32 $0x1  }
0x21: {  	_ =	swait.ge [sflag:s7], $0x100;
	s14 =	simm.s32 @!p0 $0x0  }
0x22: {  	[sflag:s7] =	ssyncset.done $0x0;
	s16 =	sshll.u32 s14, $0x8  }
0x23: {  	[sflag:s7] =	ssyncadd.s32 $0xFFFFFF00;
	s15 =	sadd.s32 $0x0, s16  }
0x24: {  	v0 =	vld.msk [tilespmem:s15+$0x0 ss:$0x1], $0xffff;
	_ =	sdelay $0x4  }
0x25: {  	vm2 =	vgt.s32 v0, $0x0  }
0x26: {  	v0 =	vnsel vm2, $0x0, v0  }
0x27: {  	v0 =	vmin.u32 v0, $0x27FF  }
0x28: {  	v0 =	vshll.u32 v0, $0x4;
	_ =	sdelay $0x2  }
0x29: {  	s14 =	sshll.u32 s14, $0xF  }
0x2a: {  	s14 =	sor.u32 $0x200, s14  }
0x2b: {  	[tilespmem:s14], [sflag:$0x1] =	stream.indirect_vreg.gather [hbm:s4], $0x80, v0, vm0, $0x38;
	[tilespmem:$0x10200] =	vst v63  }
0x2c: {  	s17 =	sadd.s32 $0x10, s16;
	s15 =	sadd.s32 $0x400, s14  }
0x2d: {  	[tilespmem:s15], [sflag:$0x1] =	stream.indirect_vreg.gather [hbm:s4], $0x80, v0, vm1, $0x38;
	[tilespmem:$0x10200] =	vst v63  }
0x2e: {  	s18 =	simm.s32 $0x80;
	v0 =	vld.msk [tilespmem:s17+$0x0 ss:$0x1], $0xffff;
	s17 =	smov.u32 s14  }
.LBB2_3:
0x2f: {  	p1 =	sne.s32 s18, $0x3C0;
	_ =	sdelay $0x4  }
0x30: {  	vm2 =	vgt.s32 v0, $0x0  }
0x31: {  	v0 =	vnsel vm2, $0x0, v0  }
0x32: {  	v0 =	vmin.u32 v0, $0x27FF  }
0x33: {  	v0 =	vshll.u32 v0, $0x4;
	_ =	sdelay $0x3  }
.Ltmp3:
0x34: {  	s19 =	sshra.s32 s18, $0x2;
	s17 =	sadd.s32 $0x800, s17;
	(pc) =	sbr.rel @p1 .LBB2_3-.Ltmp3, $4  }
0x35: {  	[tilespmem:s17], [sflag:$0x1] =	stream.indirect_vreg.gather [hbm:s4], $0x80, v0, vm0, $0x38;
	[tilespmem:$0x10200] =	vst v63  }
0x36: {  	s19 =	sadd.s32 s19, s16;
	s20 =	sadd.s32 $0x400, s17  }
0x37: {  	[tilespmem:s20], [sflag:$0x1] =	stream.indirect_vreg.gather [hbm:s4], $0x80, v0, vm1, $0x38;
	[tilespmem:$0x10200] =	vst v63  }
0x38: {  	s18 =	sadd.s32 $0x40, s18;
	v0 =	vld.msk [tilespmem:s19+$0x0 ss:$0x1], $0xffff  }
0x39: {  	_ =	sdelay $0x3  }
0x3a: {  	vm2 =	vgt.s32 v0, $0x0  }
0x3b: {  	v0 =	vnsel vm2, $0x0, v0  }
0x3c: {  	v0 =	vmin.u32 v0, $0x27FF  }
0x3d: {  	v0 =	vshll.u32 v0, $0x4;
	_ =	sdelay $0x3  }
0x3e: {  	s16 =	sadd.s32 $0x800, s17  }
0x3f: {  	[tilespmem:s16], [sflag:$0x1] =	stream.indirect_vreg.gather [hbm:s4], $0x80, v0, vm0, $0x38;
	[tilespmem:$0x10200] =	vst v63  }
0x40: {  	s16 =	sadd.s32 $0x400, s16  }
0x41: {  	[tilespmem:s16], [sflag:$0x1] =	stream.indirect_vreg.gather [hbm:s4], $0x80, v0, vm1, $0x38;
	[tilespmem:$0x10200] =	vst v63  }
0x42: {  	s13 =	sshll.u32 s13, $0x4;
	_ =	swait.ge [sflag:s6], $0x8000  }
0x43: {  	s13 =	sadd.s32 s13, s9;
	[sflag:s6] =	ssyncset.done $0x0  }
0x44: {  	s17 =	sadd.s32 $0x0, s13;
	s16 =	simm.s32 $0x80;
	[sflag:s6] =	ssyncadd.s32 $0xFFFF8000  }
.LBB2_5:
0x45: {  	[hbm:s17] =	stream.linear.scatter [tilespmem:s14], [sflag:$0x3], $0x400, $0x38;
	[tilespmem:$0x10200] =	vst v63  }
0x46: {  	s17 =	smov.u32 s16;
	s14 =	smov.u32 s15;
	p1 =	sne.s32 s16, $0xF80  }
.Ltmp4:
0x47: {  	s16 =	sadd.s32 $0x80, s16;
	(pc) =	sbr.rel @p1 .LBB2_5-.Ltmp4, $2  }
0x48: {  	_ =	sdelay $0x2  }
0x49: {  	s15 =	sadd.s32 $0x400, s15;
	s17 =	sadd.s32 s17, s13  }
.Ltmp5:
0x4a: {  	_ = 	snop;
	(pc) =	sbr.rel .LBB2_6-.Ltmp5, $1  }
0x4b: {  	_ =	sdelay $0x3  }
.LBB2_8:
0x4c: {  	_ =	sfence.sel $0x180000  }
0x4d: {  	s2 =	simm.s32 $0x2;
	[bflag:$0x0] =	sbarrier.arrive $0xFFFF  }
0x4e: {  	s30 =	simm.s32 $0x3;
	[sflag:s2] =	ssyncpa.u1 $0x1  }
0x4f: {  	s31 =	simm.s32 $0x1;
	[sflag:s30] =	ssyncpa.u1 $0x1  }
0x50: {  	[sflag:s31] =	ssyncpa.u1 $0x1  }
0x51: {  	p0 =	sne.s32 s0, $0x0;
	_ =	strace $0x9000004D  }
0x52: {  	s0 =	sadd.s32 @!p0 $0x100000, s1;
	[bflag:$0x2] =	sbarrier.arrive $0xFFFF  }
0x53: {  	[sflag:s0] =	ssyncadd.tile.s32 @!p0 $0x1;
	_ =	shalt  }
.Lfunc_end2:
_tile_overlayer_lowered:
.L_overlay_start_2:
0x54: {  	(tag) =	ssettag $0x2  }
0x55: {  	s0 =	rddreg [dreg:$0x0];
	s2 =	stileid.u32  }
0x56: {  	s1 =	rddreg [dreg:$0x1];
	p0 =	sne.s32 s2, $0x0  }
0x57: {  	s3 =	rddreg [dreg:$0x2];
	[bflag:$0x3] =	sbarrier.arrive $0xFFFF;
	s2 =	simm.s32 @!p0 $0x1C01  }
0x58: {  	[timem:s3], [sflag:s2] =	dma.local @!p0 [hbm:s0], s1  }
0x59: {  	s0 =	simm.s32 @!p0 $0x1  }
0x5a: {  	_ =	swait.ge @!p0 [sflag:s0], s1  }
0x5b: {  	s1 =	ssub.s32 @!p0 $0x0, s1;
	[sflag:s0] =	ssyncset.done @!p0 $0x0  }
0x5c: {  	[sflag:s0] =	ssyncadd.s32 @!p0 s1  }
0x5d: {  	[bflag:$0x3] =	sbarrier.arrive $0xFFFF  }
0x5e: {  	_ =	shalt  }

// kernel: gather_offload_async_start
scs
__scs_entry_jumppad:
0x0: {  	(pc) =	sbr.rel $0x88, $3  }
0x1: {  	(tag) =	ssettag $0x0;
	lr =	simm.s32 $0x1  }
0x2: {  	[smem:$0x3F77] =	sst lr;
	_ =	strace $0xD0000000  }
0x3: {  	_ = 	snop  }
0x4: {  	_ = 	snop  }
0x5: {  	_ = 	snop  }
0x6: {  	_ = 	snop  }
0x7: {  	_ = 	snop  }
__scs_overlays_trampoline_lowered:
0x8: {  	[smem:$0x3F86] =	sst s0  }
0x9: {  	[smem:$0x3F87] =	sst s1  }
0xa: {  	[smem:$0x3F88] =	sst s2  }
0xb: {  	[smem:$0x3F89] =	sst s3  }
0xc: {  	[smem:$0x3F8A] =	sst s4  }
0xd: {  	[smem:$0x3F8B] =	sst s5  }
0xe: {  	[smem:$0x3F8C] =	sst s6  }
0xf: {  	[smem:$0x3F8D] =	sst s7  }
0x10: {  	[smem:$0x3F8E] =	sst s8  }
0x11: {  	[smem:$0x3F8F] =	sst s9;
	s0 =	simm.s32 @!p0 $0x0  }
0x12: {  	s1 =	sld [smem:$0x3F75];
	s0 =	simm.s32 @p0 $0x1  }
0x13: {  	[smem:$0x3F90] =	sst s0;
	s0 =	simm.s32 @!p1 $0x0  }
0x14: {  	s2 =	sld [smem:$0x3F74];
	s0 =	simm.s32 @p1 $0x1  }
0x15: {  	[smem:$0x3F91] =	sst s0;
	s0 =	simm.s32 @!p2 $0x0  }
0x16: {  	s3 =	sld [smem:$0x3FDB];
	s0 =	simm.s32 @p2 $0x1  }
0x17: {  	s4 =	simm.s32 $0x1BF5;
	[smem:$0x3F93] =	sst s0  }
0x18: {  	s0 =	sld [smem:$0x3F76];
	_ =	swait.ge [sflag:s4], $0x0  }
0x19: {  	s7 =	sld [smem:$0x3F77]  }
0x1a: {  	s8 =	sadd.s32 $0xFFFFE003, lr  }
0x1b: {  	s9 =	sadd.s32 $0xFFFFFEF7, lr;
	s5 =	simm.s32 $0xFFFFFFFF;
	p2 =	slt.u32 s8, $0xFFFFF086  }
0x1c: {  	p1 =	slt.u32 s9, $0xF7A;
	s5 =	simm.s32 @!p2 $0x0  }
0x1d: {  	s5 =	simm.s32 @p1 $0x1;
	p0 =	seq.s32 s7, s2  }
0x1e: {  	s7 =	smul.u32 @!p0 $0xF7A, s2;
	p2 =	seq.s32 @!p0 s5, $0x0  }
0x1f: {  	s9 =	smul.u32 $0xF7A, s1;
	s8 =	simm.s32 @!p0 $0x1BF5;
	p2 =	por !p2, p0  }
0x20: {  	[sflag:s8] =	ssyncset.s32 @!p0 $0xFFFFF086;
	s6 =	sadd.s32 @!p0 s3, s7;
	s7 =	simm.s32 @!p0 $0x108  }
0x21: {  	s3 =	sadd.s32 s3, s9;
	s6 =	sadd.s32 @!p0 $0x88, s6;
	s7 =	simm.s32 @p2 $0x1082  }
0x22: {  	[simem:s7], [sflag:s8] =	dma.local @!p0 [hbm:s6], $0xF7A  }
0x23: {  	s9 =	sor.u32 $0xD0000000, s2;
	s6 =	simm.s32 $0x108;
	_ =	swait.ge @!p0 [sflag:s8], $0x0  }
0x24: {  	s3 =	sadd.s32 $0x88, s3;
	s6 =	simm.s32 @!p1 $0x1082;
	[sflag:s4] =	ssyncset.s32 $0xFFFFF086  }
0x25: {  	[simem:s6], [sflag:s4] =	dma.local [hbm:s3], $0xF7A  }
0x26: {  	[smem:$0x3F77] =	sst s1;
	(tag) =	ssettag s2;
	_ =	strace s9  }
0x27: {  	s1 =	sld [smem:$0x3F87]  }
0x28: {  	s2 =	sld [smem:$0x3F88]  }
0x29: {  	s4 =	sld [smem:$0x3F8A]  }
0x2a: {  	p0 =	seq.s32 s5, $0x0;
	s5 =	sld [smem:$0x3F8B]  }
0x2b: {  	s6 =	sld [smem:$0x3F8C]  }
0x2c: {  	s7 =	sld [smem:$0x3F8D]  }
0x2d: {  	s3 =	simm.s32 $0x108;
	s8 =	sld [smem:$0x3F8E]  }
0x2e: {  	s3 =	simm.s32 @!p0 $0x1082;
	s9 =	sld [smem:$0x3F8F]  }
0x2f: {  	lr =	sadd.s32 s0, s3;
	s0 =	sld [smem:$0x3F86]  }
0x30: {  	s3 =	sld [smem:$0x3F89]  }
0x31: {  	[smem:$0x3F92] =	sst s10  }
0x32: {  	s10 =	sld [smem:$0x3F90];
	_ =	sdelay $0x3  }
0x33: {  	p0 =	seq.s32 s10, $0x1;
	s10 =	sld [smem:$0x3F92];
	_ =	sdelay $0x3  }
0x34: {  	[smem:$0x3F92] =	sst s10  }
0x35: {  	s10 =	sld [smem:$0x3F91];
	_ =	sdelay $0x3  }
0x36: {  	p1 =	seq.s32 s10, $0x1;
	s10 =	sld [smem:$0x3F92];
	_ =	sdelay $0x3  }
0x37: {  	[smem:$0x3F92] =	sst s10  }
0x38: {  	s10 =	sld [smem:$0x3F93]  }
0x39: {  	_ = 	snop;
	(pc) =	sbr.ind lr, $3  }
0x3a: {  	_ = 	snop  }
0x3b: {  	_ = 	snop  }
0x3c: {  	p2 =	seq.s32 s10, $0x1;
	s10 =	sld [smem:$0x3F92]  }
0x3d: {  	_ =	shalt  }
0x3e: {  	_ =	shalt  }
0x3f: {  	_ =	shalt  }
0x40: {  	_ =	shalt  }
0x41: {  	_ =	shalt  }
0x42: {  	_ =	shalt  }
0x43: {  	_ =	shalt  }
0x44: {  	_ =	shalt  }
0x45: {  	_ =	shalt  }
0x46: {  	_ =	shalt  }
0x47: {  	_ =	shalt  }
0x48: {  	_ =	shalt  }
0x49: {  	_ =	shalt  }
0x4a: {  	_ =	shalt  }
0x4b: {  	_ =	shalt  }
0x4c: {  	_ =	shalt  }
0x4d: {  	_ =	shalt  }
0x4e: {  	_ =	shalt  }
0x4f: {  	_ =	shalt  }
0x50: {  	_ =	shalt  }
0x51: {  	_ =	shalt  }
0x52: {  	_ =	shalt  }
0x53: {  	_ =	shalt  }
0x54: {  	_ =	shalt  }
0x55: {  	_ =	shalt  }
0x56: {  	_ =	shalt  }
0x57: {  	_ =	shalt  }
0x58: {  	_ =	shalt  }
0x59: {  	_ =	shalt  }
0x5a: {  	_ =	shalt  }
0x5b: {  	_ =	shalt  }
0x5c: {  	_ =	shalt  }
0x5d: {  	_ =	shalt  }
0x5e: {  	_ =	shalt  }
0x5f: {  	_ =	shalt  }
0x60: {  	_ =	shalt  }
0x61: {  	_ =	shalt  }
0x62: {  	_ =	shalt  }
0x63: {  	_ =	shalt  }
0x64: {  	_ =	shalt  }
0x65: {  	_ =	shalt  }
0x66: {  	_ =	shalt  }
0x67: {  	_ =	shalt  }
0x68: {  	_ =	shalt  }
0x69: {  	_ =	shalt  }
0x6a: {  	_ =	shalt  }
0x6b: {  	_ =	shalt  }
0x6c: {  	_ =	shalt  }
0x6d: {  	_ =	shalt  }
0x6e: {  	_ =	shalt  }
0x6f: {  	_ =	shalt  }
0x70: {  	_ =	shalt  }
0x71: {  	_ =	shalt  }
0x72: {  	_ =	shalt  }
0x73: {  	_ =	shalt  }
0x74: {  	_ =	shalt  }
0x75: {  	_ =	shalt  }
0x76: {  	_ =	shalt  }
0x77: {  	_ =	shalt  }
0x78: {  	_ =	shalt  }
0x79: {  	_ =	shalt  }
0x7a: {  	_ =	shalt  }
0x7b: {  	_ =	shalt  }
0x7c: {  	_ =	shalt  }
0x7d: {  	_ =	shalt  }
0x7e: {  	_ =	shalt  }
0x7f: {  	_ =	shalt  }
0x80: {  	_ =	shalt  }
0x81: {  	_ =	shalt  }
0x82: {  	_ =	shalt  }
0x83: {  	_ =	shalt  }
0x84: {  	_ =	shalt  }
0x85: {  	_ =	shalt  }
0x86: {  	_ =	shalt  }
0x87: {  	_ =	shalt  }
.Lfunc_end0:
.L_simem_size_0:
called_computation_lowered:
.L_overlay_start_0:
0x88: {  	s2 =	sld [smem:$0x3FD9]  }
0x89: {  	s3 =	sld [smem:$0x3FFE];
	_ =	sdelay $0x1  }
0x8a: {  	s1 =	srdreg.scid  }
0x8b: {  	s0 =	sand.u32 $0x1, s1  }
0x8c: {  	s14 =	sshll.u32 s0, $0xA;
	s2 =	sadd.s32 s3, s2  }
0x8d: {  	s2 =	sadd.s32 s2, s14  }
0x8e: {  	[smem:$0x3F9E] =	sst s2  }
0x8f: {  	_ = 	snop  }
0x90: {  	s2 =	sld [smem:$0x3FD0];
	_ =	sdelay $0x2  }
0x91: {  	s15 =	simm.s32 $0xA;
	s4 =	simm.s32 $0x10  }
0x92: {  	[smem:s4], [sflag:s15] =	dma.local [hbm:s2], $0x1  }
0x93: {  	_ =	swait.eq [sflag:s15], $0x1  }
0x94: {  	[sflag:s15] =	ssyncset.done $0x0  }
0x95: {  	s16 =	sld [smem:$0x10];
	[sflag:s15] =	ssyncadd.s32 $0xFFFFFFFF  }
0x96: {  	s17 =	sld [smem:$0x11];
	(tm) =	ssettm $0x1  }
0x97: {  	s18 =	sld [smem:$0x3FFB];
	_ =	sdelay $0x3  }
0x98: {  	_ =	strace s18  }
0x99: {  	s4 =	sld [smem:$0x3FFC];
	_ =	sdelay $0x3  }
0x9a: {  	_ =	strace s4  }
0x9b: {  	s4 =	sld [smem:$0x3FFD];
	_ =	sdelay $0x3  }
0x9c: {  	_ =	strace s4  }
0x9d: {  	_ =	strace $0x8FFFFFFF  }
0x9e: {  	s19 =	sld [smem:$0x3FDB];
	_ =	sdelay $0x1  }
0x9f: {  	s5 =	simm.s32 $_scs_section_size  }
0xa0: {  	s6 =	simm.s32 $_size__tile_overlayer_lowered;
	s7 =	simm.s32 $_tile_overlayer_lowered  }
0xa1: {  	s22 =	simm.s32 $0x1BFF;
	s21 =	sshll.u32 s7, $0x1;
	s4 =	sadd.s32 s5, s19  }
0xa2: {  	s8 =	simm.s32 $0x0;
	s20 =	sshll.u32 s6, $0x1;
	s6 =	sadd.s32 s21, s4  }
0xa3: {  	[timem:s8], [sflag:s22] =	dma.local [hbm:s6], s20  }
0xa4: {  	_ =	swait.ge [sflag:s22], s20  }
0xa5: {  	s5 =	ssub.s32 $0x0, s20;
	[sflag:s22] =	ssyncset.done $0x0  }
0xa6: {  	[sflag:s22] =	ssyncadd.s32 s5;
	_ =	sdelay $0x1  }
0xa7: {  	s23 =	simm.s32 $0x1B8B  }
0xa8: {  	_ =	swait.ge [sflag:s23], $0x1  }
0xa9: {  	[sflag:s23] =	ssyncset.done $0x0  }
0xaa: {  	s25 =	simm.s32 $0x1B8E;
	s24 =	sld [smem:$0x3FFE];
	[sflag:s23] =	ssyncadd.s32 $0xFFFFFFFF  }
0xab: {  	s26 =	simm.s32 $execute0_lowered;
	[smem:$0x3FD2] =	sst s25  }
0xac: {  	s6 =	sshll.u32 s26, $0x1;
	_ =	strace $0x80000046;
	[dreg:$0x1] =	wrdreg $0xFFFFFFFF  }
0xad: {  	s28 =	simm.s32 $_size_execute0_lowered;
	s4 =	sadd.s32 s4, s6;
	[dreg:$0x0] =	wrdreg $0x0  }
0xae: {  	s6 =	sshll.u32 s28, $0x1;
	[dreg:$0x2] =	wrdreg s4  }
0xaf: {  	[dreg:$0x3] =	wrdreg s6  }
0xb0: {  	[dreg:$0x4] =	wrdreg $0xC0  }
0xb1: {  	_ =	task [dreg:s8], $0x5FFFF  }
0xb2: {  	[dreg:$0x1] =	wrdreg $0xFFFFFFFF  }
0xb3: {  	[dreg:$0x0] =	wrdreg $0x60  }
0xb4: {  	[dreg:$0x2] =	wrdreg s16  }
0xb5: {  	[dreg:$0x3] =	wrdreg s17  }
0xb6: {  	[dreg:$0x4] =	wrdreg s24  }
0xb7: {  	[dreg:$0x5] =	wrdreg $0x9  }
0xb8: {  	_ =	task.clear_ibuf [dreg:s8], $0x6FFFF;
	_ =	strace $0x90000046  }
0xb9: {  	s29 =	simm.s32 $0x9;
	_ =	strace $0x80000048  }
0xba: {  	_ =	swait.ge [sflag:s29], $0x1  }
0xbb: {  	[sflag:s29] =	ssyncadd.s32 $0xFFFFFFFF  }
0xbc: {  	_ =	strace $0x90000048  }
0xbd: {  	_ =	sfence  }
0xbe: {  	s30 =	sld [smem:$0x0];
	_ =	sdelay $0x2  }
0xbf: {  	s31 =	sshll.u32 s1, $0xD;
	s1 =	sshrl.u32 s1, $0x2  }
0xc0: {  	s3 =	sand.u32 $0x4000, s31;
	s1 =	sadd.s32 s1, s30  }
0xc1: {  	s0 =	sor.u32 s3, s0;
	s1 =	sshll.u32 s1, $0x11  }
0xc2: {  	s0 =	sor.u32 s1, s0  }
0xc3: {  	s0 =	sadd.s32 $0x8F2B, s0  }
0xc4: {  	[sflag:s0] =	ssyncadd.remote.s32 $0x1  }
0xc5: {  	_ =	sfence.sel $0xFFFF  }
0xc6: {  	[dreg:$0x0] =	wrdreg $0xFFFFFFFF;
	(pc) =	sbr.abs _section_cstart, $3  }
0xc7: {  	[dreg:$0x1] =	wrdreg $0xFFFFFFFF  }
0xc8: {  	_ =	task.clear_ibuf [dreg:s8], $0x2FFFF;
	_ =	strace $0x9FFFFFFF  }
0xc9: {  	(tm) =	ssettm $0x7FFFFFFF  }
tec
execute0_lowered:
.L_overlay_start_1:
0x0: {  	(tag) =	ssettag $0x1  }
0x1: {  	s2 =	rddreg [dreg:$0x0]  }
0x2: {  	s1 =	srdreg.scid;
	s3 =	rddreg [dreg:$0x1]  }
0x3: {  	s0 =	stileid.u32;
	s5 =	rddreg [dreg:$0x2]  }
0x4: {  	s9 =	simm.s32 $0x1;
	s10 =	simm.s32 $0x3;
	s1 =	sshll.u32 s1, $0x8  }
0x5: {  	s13 =	simm.s32 $0x0;
	s4 =	sshll.u32 s0, $0x9;
	s6 =	sand.u32 $0x100, s1  }
0x6: {  	s12 =	simm.s32 $0x0;
	s5 =	sadd.s32 $0x3200, s5;
	s4 =	sor.u32 s4, s6  }
0x7: {  	s1 =	rddreg [dreg:$0x3];
	_ =	strace $0x80000047;
	s8 =	ssub.s32 $0x2800, s4  }
.Ltmp0:
0x8: {  	s6 =	simm.s32 $0x1;
	s7 =	sand.u32 $0x1F00, s8;
	(pc) =	sbr.rel .LBB2_1-.Ltmp0, $4  }
0x9: {  	[sflag:s6] =	ssyncpa.u1 $0x0;
	s11 =	smov.u32 s4;
	p0 =	sne.s32 s7, $0x0  }
0xa: {  	s8 =	sshrl.u32 s8, $0xD;
	s7 =	simm.s32 $0x2;
	s9 =	simm.s32 @!p0 $0x0  }
0xb: {  	[sflag:s7] =	ssyncpa.u1 $0x0;
	p0 =	por $0x0, $0x0;
	s8 =	sadd.s32 s9, s8  }
0xc: {  	vm0 =	vmmov $0xffff;
	[sflag:s10] =	ssyncpa.u1 $0x0;
	s10 =	simm.s32 $0x0;
	s9 =	sadd.s32 $0x1, s8  }
.LBB2_4:
0xd: {  	v2 =	vnsel vm1, $0x0, v2  }
0xe: {  	vm1 =	vgt.s32 v0, $0x0;
	v2 =	vmin.u32 v2, $0x27FF  }
0xf: {  	v0 =	vnsel vm1, $0x0, v0  }
0x10: {  	v0 =	vmin.u32 v0, $0x27FF  }
0x11: {  	[tilespmem:s15], [sflag:$0x1] =	stream.indirect_vreg.gather [hbm4b:s2+s10], $0x1, v1, vm0, $0x4038;
	[tilespmem:$0x400] =	vst v63  }
0x12: {  	(ifvalue) =	ssetifvalue $0x7FFFFFFF  }
0x13: {  	[tilespmem:s16], [sflag:$0x1] =	stream.indirect_vreg.gather [hbm4b:s2+s10], $0x1, v2, vm0, $0x4038;
	[tilespmem:$0x400] =	vst v63  }
0x14: {  	s29 =	sadd.s32 $0x10, s16;
	(ifvalue) =	ssetifvalue $0x7FFFFFFF  }
0x15: {  	[tilespmem:s29], [sflag:$0x1] =	stream.indirect_vreg.gather [hbm4b:s2+s10], $0x1, v0, vm0, $0x4038;
	[tilespmem:$0x400] =	vst v63  }
0x16: {  	_ =	swait.ge [sflag:s6], $0x100  }
0x17: {  	s30 =	sshrl.u32 s13, $0x3;
	[sflag:s6] =	ssyncset.done $0x0  }
0x18: {  	s31 =	sand.u32 $0x7, s13;
	s15 =	sadd.s32 s5, s30;
	[sflag:s6] =	ssyncadd.s32 $0xFFFFFF00  }
0x19: {  	[hbm4b:s15+s31] =	stream.linear.scatter [tilespmem:s14], [sflag:$0x3], $0x100, $0x38;
	[tilespmem:$0x400] =	vst v63  }
.LBB2_5:
0x1a: {  	s15 =	sadd.s32 $0x2000, s11  }
0x1b: {  	p2 =	sgt.s32 s15, $0x27FF  }
0x1c: {  	s15 =	smov.u32 @p2 s4;
	p2 =	sne.s32 s12, s9  }
.Ltmp1:
0x1d: {  	p1 =	slt.u32 s12, $0x2;
	(pc) =	sbr.rel @!p2 .LBB2_6-.Ltmp1, $4  }
0x1e: {  	s14 =	simm.s32 @!p1 $0x3  }
0x1f: {  	s16 =	sadd.s32 $0x1, s12;
	_ =	swait.ge @!p1 [sflag:s14], $0x100  }
0x20: {  	s13 =	smov.u32 s11;
	p0 =	por !p0, !p0;
	[sflag:s14] =	ssyncset.done @!p1 $0x0  }
0x21: {  	s12 =	smov.u32 s16;
	s11 =	smov.u32 s15;
	[sflag:s14] =	ssyncadd.s32 @!p1 $0xFFFFFF00  }
.LBB2_1:
0x22: {  	p1 =	sge.u32 s12, s8  }
0x23: {  	s14 =	sxor.u32 @!p1 $0xFFFFFFFF, s12  }
0x24: {  	s31 =	sadd.s32 $0xFFFFFFFF, s12;
	s15 =	sshrl.u32 @!p1 s11, $0x3;
	s14 =	sshll.u32 @!p1 s14, $0x8  }
0x25: {  	s16 =	sand.u32 @!p1 $0x7, s11;
	s15 =	sadd.s32 @!p1 s3, s15;
	s14 =	sand.u32 @!p1 $0x100, s14  }
0x26: {  	[tilespmem:s14], [sflag:$0x2] =	stream.linear.gather @!p1 [hbm4b:s15+s16], $0x100, $0x38;
	[tilespmem:$0x400] =	vst v63  }
0x27: {  	p1 =	sge.u32 s31, s8  }
.Ltmp2:
0x28: {  	_ = 	snop;
	(pc) =	sbr.rel @p1 .LBB2_5-.Ltmp2, $1  }
0x29: {  	_ =	sdelay $0x3  }
0x2a: {  	s14 =	simm.s32 $0x1  }
0x2b: {  	_ =	swait.ge [sflag:s7], $0x100;
	s14 =	simm.s32 @!p0 $0x0  }
0x2c: {  	[sflag:s7] =	ssyncset.done $0x0;
	s14 =	sshll.u32 s14, $0x8  }
0x2d: {  	[sflag:s7] =	ssyncadd.s32 $0xFFFFFF00;
	(ifvalue) =	ssetifvalue $0x7FFFFFFF;
	v0 =	vld.msk [tilespmem:s14+$0x0 ss:$0x1], $0xffff;
	_ =	sdelay $0x4  }
0x2e: {  	s15 =	sadd.s32 $0x10, s14;
	vm1 =	vgt.s32 v0, $0x0  }
0x2f: {  	v2 =	vld.msk [tilespmem:s15+$0x0 ss:$0x1], $0xffff;
	v1 =	vnsel vm1, $0x0, v0  }
0x30: {  	v1 =	vmin.u32 v1, $0x27FF;
	_ =	sdelay $0x1  }
0x31: {  	s16 =	sshll.u32 s12, $0x8;
	s18 =	simm.s32 $0x20  }
0x32: {  	s16 =	sand.u32 $0x100, s16;
	s17 =	sadd.s32 $0x10, s15;
	s15 =	sor.u32 $0x200, s14  }
0x33: {  	s14 =	sor.u32 $0x200, s16;
	s16 =	sadd.s32 $0x10, s15;
	v0 =	vld.msk [tilespmem:s17+$0x0 ss:$0x1], $0xffff;
	vm1 =	vgt.s32 v2, $0x0;
	(ifvalue) =	ssetifvalue $0x7FFFFFFF  }
.LBB2_3:
0x34: {  	[tilespmem:s15], [sflag:$0x1] =	stream.indirect_vreg.gather [hbm4b:s2+s10], $0x1, v1, vm0, $0x4038;
	[tilespmem:$0x400] =	vst v63  }
0x35: {  	s18 =	sadd.s32 $0x10, s18  }
0x36: {  	v2 =	vnsel vm1, $0x0, v2;
	p1 =	slt.u32 s18, $0xF0  }
.Ltmp3:
0x37: {  	s15 =	smov.u32 s16;
	v1 =	vmin.u32 v2, $0x27FF;
	(pc) =	sbr.rel @p1 .LBB2_3-.Ltmp3, $3  }
0x38: {  	_ =	sdelay $0x1  }
0x39: {  	s17 =	sadd.s32 $0x10, s17  }
0x3a: {  	vm1 =	vgt.s32 v0, $0x0;
	s16 =	sadd.s32 $0x10, s16;
	v2 =	vmov v0;
	(ifvalue) =	ssetifvalue $0x7FFFFFFF;
	v0 =	vld.msk [tilespmem:s17+$0x0 ss:$0x1], $0xffff  }
.Ltmp4:
0x3b: {  	_ = 	snop;
	(pc) =	sbr.rel .LBB2_4-.Ltmp4, $1  }
0x3c: {  	_ =	sdelay $0x3  }
.LBB2_6:
0x3d: {  	_ =	sfence.sel $0x180000  }
0x3e: {  	s2 =	simm.s32 $0x2;
	[bflag:$0x0] =	sbarrier.arrive $0xFFFF  }
0x3f: {  	s30 =	simm.s32 $0x3;
	[sflag:s2] =	ssyncpa.u1 $0x1  }
0x40: {  	s31 =	simm.s32 $0x1;
	[sflag:s30] =	ssyncpa.u1 $0x1  }
0x41: {  	[sflag:s31] =	ssyncpa.u1 $0x1  }
0x42: {  	p0 =	sne.s32 s0, $0x0;
	_ =	strace $0x90000047  }
0x43: {  	s0 =	sadd.s32 @!p0 $0x100000, s1;
	[bflag:$0x2] =	sbarrier.arrive $0xFFFF  }
0x44: {  	[sflag:s0] =	ssyncadd.tile.s32 @!p0 $0x1;
	_ =	shalt  }
.Lfunc_end2:
_tile_overlayer_lowered:
.L_overlay_start_2:
0x45: {  	(tag) =	ssettag $0x2  }
0x46: {  	s0 =	rddreg [dreg:$0x0];
	s2 =	stileid.u32  }
0x47: {  	s1 =	rddreg [dreg:$0x1];
	p0 =	sne.s32 s2, $0x0  }
0x48: {  	s3 =	rddreg [dreg:$0x2];
	[bflag:$0x3] =	sbarrier.arrive $0xFFFF;
	s2 =	simm.s32 @!p0 $0x1C01  }
0x49: {  	[timem:s3], [sflag:s2] =	dma.local @!p0 [hbm:s0], s1  }
0x4a: {  	s0 =	simm.s32 @!p0 $0x1  }
0x4b: {  	_ =	swait.ge @!p0 [sflag:s0], s1  }
0x4c: {  	s1 =	ssub.s32 @!p0 $0x0, s1;
	[sflag:s0] =	ssyncset.done @!p0 $0x0  }
0x4d: {  	[sflag:s0] =	ssyncadd.s32 @!p0 s1  }
0x4e: {  	[bflag:$0x3] =	sbarrier.arrive $0xFFFF  }
0x4f: {  	_ =	shalt  }

</sc_bundles>
